<compile_context>
chip_gen: v7x
topology: tpu7x:2x2x1
jax: 0.10.2.dev20260603
libtpu: 0.0.44.dev20260713+nightly
codegen_flags: <defaults>
</compile_context>

<pallas_src>
import functools

import jax
import jax.numpy as jnp
from jax import lax
from jax.experimental import pallas as pl
from jax.experimental.pallas import tpu as pltpu
from jax.experimental.pallas import tpu_sc as plsc

N = 10000
E = 320000
H = 128

NC = 2
NS = 16
NW = NC * NS

N_PAD = 10240
CH = 128
EPT = 10112
NCHUNK = EPT // CH
E_PAD = NW * EPT
RPT = N_PAD // NS
K0 = 129
K1 = 2 * NCHUNK - K0
G0 = EPT
G1 = 2 * EPT - G0
GMAX = max(G0, G1)

_f32 = jnp.float32


def _mesh():
    return plsc.VectorSubcoreMesh(core_axis_name="c", subcore_axis_name="s",
                                  num_cores=NC, num_subcores=NS)


@functools.lru_cache(maxsize=None)
def _make_seg0():

    def body(u_hbm, v_hbm, src_hbm, dst_hbm, outd_hbm, outu_hbm, outv_hbm,
             u_v, v_v, src_v, dst_v, acc_d, acc_u, acc_v):
        c = lax.axis_index("c")
        s = lax.axis_index("s")
        wid = s * NC + c
        zvec = jnp.full((16,), 0.0, _f32)
        ones = jnp.full((16,), 1.0, _f32)

        pltpu.sync_copy(u_hbm, u_v)
        pltpu.sync_copy(v_hbm, v_v)

        @pl.when(c == 0)
        def _():
            pltpu.sync_copy(src_hbm.at[pl.ds(s * G0, G0)],
                            src_v.at[pl.ds(0, G0)])
            pltpu.sync_copy(dst_hbm.at[pl.ds(s * G0, G0)],
                            dst_v.at[pl.ds(0, G0)])

        @pl.when(c == 1)
        def _():
            pltpu.sync_copy(src_hbm.at[pl.ds(NS * G0 + s * G1, G1)],
                            src_v.at[pl.ds(0, G1)])
            pltpu.sync_copy(dst_hbm.at[pl.ds(NS * G0 + s * G1, G1)],
                            dst_v.at[pl.ds(0, G1)])

        def zero(i, carry):
            sl = pl.ds(i * 16, 16)
            acc_d[sl] = zvec
            acc_u[sl] = zvec
            acc_v[sl] = zvec
            return carry
        lax.fori_loop(0, N_PAD // 16, zero, 0)

        def step(i, carry):
            sl = pl.ds(i * 16, 16)
            sv = src_v[sl]
            dv = dst_v[sl]
            uu = plsc.load_gather(u_v, [sv])
            vv = plsc.load_gather(v_v, [sv])
            plsc.addupdate_scatter(acc_d, [dv], ones)
            plsc.addupdate_scatter(acc_u, [dv], uu)
            plsc.addupdate_scatter(acc_v, [dv], vv)
            return carry
        lax.fori_loop(0, jnp.where(c == 0, G0 // 16, G1 // 16), step, 0)

        base = wid * N_PAD
        pltpu.sync_copy(acc_d, outd_hbm.at[pl.ds(base, N_PAD)])
        pltpu.sync_copy(acc_u, outu_hbm.at[pl.ds(base, N_PAD)])
        pltpu.sync_copy(acc_v, outv_hbm.at[pl.ds(base, N_PAD)])

    return pl.kernel(
        body,
        out_type=(jax.ShapeDtypeStruct((NW * N_PAD,), _f32),
                  jax.ShapeDtypeStruct((NW * N_PAD,), _f32),
                  jax.ShapeDtypeStruct((NW * N_PAD,), _f32)),
        mesh=_mesh(),
        compiler_params=pltpu.CompilerParams(needs_layout_passes=False),
        scratch_types=[
            pltpu.VMEM((N_PAD,), _f32),
            pltpu.VMEM((N_PAD,), _f32),
            pltpu.VMEM((GMAX,), jnp.int32),
            pltpu.VMEM((GMAX,), jnp.int32),
            pltpu.VMEM((N_PAD,), _f32),
            pltpu.VMEM((N_PAD,), _f32),
            pltpu.VMEM((N_PAD,), _f32),
        ],
    )


@functools.lru_cache(maxsize=None)
def _make_seg1():

    def body(table_hbm, src_hbm, dst_hbm, out_hbm, src0_v, src1_v, dst0_v,
             dst1_v, rows0_v, rows1_v, acc_sh, sem0, sem1, ssem0, ssem1):
        c = lax.axis_index("c")
        s = lax.axis_index("s")
        zvec = jnp.full((16,), 0.0, _f32)
        srcs = (src0_v, src1_v)
        dsts = (dst0_v, dst1_v)
        rows = (rows0_v, rows1_v)
        sems = (sem0, sem1)
        ssems = (ssem0, ssem1)

        def zrow(i, carry):
            for j in range(H // 16):
                rows0_v[i, pl.ds(j * 16, 16)] = zvec
            return carry
        lax.fori_loop(0, CH, zrow, 0)
        r0 = s * RPT
        for b in range(RPT // CH):
            pltpu.sync_copy(rows0_v, acc_sh.at[pl.ds(r0 + b * CH, CH)])
        plsc.subcore_barrier()

        nck = jnp.where(c == 0, K0, K1)
        base = jnp.where(c == 0, s * (K0 * CH),
                         NS * K0 * CH + s * (K1 * CH))

        def fetch(j, b):
            off = base + j * CH
            pltpu.sync_copy(src_hbm.at[pl.ds(off, CH)], srcs[b])
            pltpu.sync_copy(dst_hbm.at[pl.ds(off, CH)], dsts[b])
            pltpu.async_copy(table_hbm.at[srcs[b]], rows[b], sems[b])

        fetch(0, 0)

        def step(i, carry):
            for b in range(2):
                j = i * 2 + b

                @pl.when(jnp.logical_and(j + 1 < nck, j >= 1))
                def _():
                    pltpu.make_async_copy(rows[1 - b],
                                          acc_sh.at[dsts[1 - b]],
                                          ssems[1 - b]).wait()

                @pl.when(j + 1 < nck)
                def _():
                    fetch(j + 1, 1 - b)

                @pl.when(j < nck)
                def _():
                    pltpu.make_async_copy(table_hbm.at[srcs[b]], rows[b],
                                          sems[b]).wait()
                    pltpu.async_copy(rows[b], acc_sh.at[dsts[b]], ssems[b],
                                     add=True)
            return carry
        lax.fori_loop(0, (nck + 1) // 2, step, 0)

        for b in range(2):
            pltpu.make_async_copy(rows[b], acc_sh.at[dsts[b]],
                                  ssems[b]).wait()
        plsc.subcore_barrier()

        for b in range(RPT // CH):
            sl = pl.ds(r0 + b * CH, CH)
            pltpu.sync_copy(acc_sh.at[sl], out_hbm.at[c, sl])

    return pl.kernel(
        body,
        out_type=jax.ShapeDtypeStruct((NC, N_PAD, H), _f32),
        mesh=_mesh(),
        scratch_types=[
            pltpu.VMEM((CH,), jnp.int32),
            pltpu.VMEM((CH,), jnp.int32),
            pltpu.VMEM((CH,), jnp.int32),
            pltpu.VMEM((CH,), jnp.int32),
            pltpu.VMEM((CH, H), _f32),
            pltpu.VMEM((CH, H), _f32),
            pltpu.VMEM_SHARED((N_PAD, H), _f32),
            pltpu.SemaphoreType.DMA,
            pltpu.SemaphoreType.DMA,
            pltpu.SemaphoreType.DMA,
            pltpu.SemaphoreType.DMA,
        ],
    )


BN1 = 1024


def _h1_body(pd_ref, pu_ref, pv_ref, uv_ref, ws_ref, wn_ref, b_ref, h1_ref):
    sd = jnp.sum(pd_ref[...], axis=0)[:, None]
    su = jnp.sum(pu_ref[...], axis=0)[:, None]
    sv = jnp.sum(pv_ref[...], axis=0)[:, None]
    inv = 1.0 / jnp.maximum(sd, 1.0)
    u = uv_ref[0][:, None]
    v = uv_ref[1][:, None]
    h = (u * ws_ref[0:1, :] + v * ws_ref[1:2, :]
         + su * inv * wn_ref[0:1, :] + sv * inv * wn_ref[1:2, :]
         + b_ref[0:1, :])
    h1_ref[...] = jnp.maximum(h, 0.0)


_h1_call = pl.pallas_call(
    _h1_body,
    grid=(N_PAD // BN1,),
    in_specs=[
        pl.BlockSpec((NW, BN1), lambda i: (0, i)),
        pl.BlockSpec((NW, BN1), lambda i: (0, i)),
        pl.BlockSpec((NW, BN1), lambda i: (0, i)),
        pl.BlockSpec((2, BN1), lambda i: (0, i)),
        pl.BlockSpec((2, H), lambda i: (0, 0)),
        pl.BlockSpec((2, H), lambda i: (0, 0)),
        pl.BlockSpec((1, H), lambda i: (0, 0)),
    ],
    out_specs=pl.BlockSpec((BN1, H), lambda i: (i, 0)),
    out_shape=jax.ShapeDtypeStruct((N_PAD, H), _f32),
)


BN2 = 1024
NB2 = N_PAD // BN2


def _h2_body(h1_ref, parts_ref, pd_ref, ws_ref, wn_ref, b_ref,
             wsc1_ref, bsc1_ref, wsc2t_ref, bsc2_ref, out_ref, acc):
    i = pl.program_id(0)
    sd = jnp.sum(pd_ref[...], axis=0)[:, None]
    inv = 1.0 / jnp.maximum(sd, 1.0)
    agg = (parts_ref[0] + parts_ref[1]) * inv
    h2 = jnp.dot(h1_ref[...], ws_ref[...], preferred_element_type=_f32)
    h2 = h2 + jnp.dot(agg, wn_ref[...], preferred_element_type=_f32)
    h2 = jnp.maximum(h2 + b_ref[0:1, :], 0.0)
    rows = i * BN2 + lax.broadcasted_iota(jnp.int32, (BN2, 1), 0)
    h2 = jnp.where(rows < N, h2, 0.0)
    part = jnp.sum(h2, axis=0, keepdims=True)

    @pl.when(i == 0)
    def _():
        acc[...] = part

    @pl.when(i > 0)
    def _():
        acc[...] = acc[...] + part

    @pl.when(i == NB2 - 1)
    def _():
        mean = acc[...] * (1.0 / N)
        hidden = jnp.maximum(
            jnp.dot(mean, wsc1_ref[...], preferred_element_type=_f32)
            + bsc1_ref[...], 0.0)
        out_ref[...] = (jnp.sum(hidden * wsc2t_ref[...], axis=1,
                                keepdims=True) + bsc2_ref[...])


_h2_call = pl.pallas_call(
    _h2_body,
    grid=(NB2,),
    in_specs=[
        pl.BlockSpec((BN2, H), lambda i: (i, 0)),
        pl.BlockSpec((2, BN2, H), lambda i: (0, i, 0)),
        pl.BlockSpec((NW, BN2), lambda i: (0, i)),
        pl.BlockSpec((H, H), lambda i: (0, 0)),
        pl.BlockSpec((H, H), lambda i: (0, 0)),
        pl.BlockSpec((1, H), lambda i: (0, 0)),
        pl.BlockSpec((H, H), lambda i: (0, 0)),
        pl.BlockSpec((1, H), lambda i: (0, 0)),
        pl.BlockSpec((1, H), lambda i: (0, 0)),
        pl.BlockSpec((1, 1), lambda i: (0, 0)),
    ],
    out_specs=pl.BlockSpec((1, 1), lambda i: (0, 0)),
    out_shape=jax.ShapeDtypeStruct((1, 1), _f32),
    scratch_shapes=[pltpu.VMEM((1, H), _f32)],
)


def kernel(edge_index, u_mask, v_mask, W_self0, W_neigh0, b0,
           W_self1, W_neigh1, b1, Wsc1, bsc1, Wsc2, bsc2):
    src = edge_index[0].astype(jnp.int32)
    dst = edge_index[1].astype(jnp.int32)
    pad = E_PAD - E
    src_p = jnp.concatenate([src, jnp.zeros((pad,), jnp.int32)])
    dst_p = jnp.concatenate([dst, jnp.full((pad,), N, jnp.int32)])
    uf = jnp.pad(u_mask.astype(_f32), (0, N_PAD - N))
    vf = jnp.pad(v_mask.astype(_f32), (0, N_PAD - N))

    pd, pu, pv = _make_seg0()(uf, vf, src_p, dst_p)
    pd = pd.reshape(NW, N_PAD)
    pu = pu.reshape(NW, N_PAD)
    pv = pv.reshape(NW, N_PAD)
    uv = jnp.stack([uf, vf])

    h1 = _h1_call(pd, pu, pv, uv, W_self0, W_neigh0, b0.reshape(1, H))
    parts = _make_seg1()(h1, src_p, dst_p)
    out = _h2_call(h1, parts, pd, W_self1, W_neigh1, b1.reshape(1, H),
                   Wsc1, bsc1.reshape(1, H), Wsc2.reshape(1, H),
                   bsc2.reshape(1, 1))
    return out.reshape(1)

# --- scband reference (transcript-rebuilt; emitter-appended) ---
"""Pipeline reference for scband-graph-sagemodel-70806830841997 (READ-ONLY COPY).

The authoritative reference and input builder live on the scoring server;
editing this copy changes nothing except your own understanding.
"""

import jax, jax.numpy as jnp
import numpy as np

N = 10000
E = 320000
H = 128

def setup_inputs(seed: int = 0) -> dict:
    key = jax.random.key(seed)
    ks = jax.random.split(key, 16)
    edge_index = jax.random.randint(ks[0], (2, E), 0, N)
    u_mask = jax.random.randint(ks[1], (N,), 0, 2) == 1
    v_mask = jax.random.randint(ks[2], (N,), 0, 2) == 1
    def glorot(k, shape):
        fan_in, fan_out = shape[0], shape[1]
        lim = np.sqrt(6.0 / (fan_in + fan_out))
        return jax.random.uniform(k, shape, jnp.float32, -lim, lim)
    # SAGEConv layer 0: in=2 -> out=H
    W_self0 = glorot(ks[3], (2, H))
    W_neigh0 = glorot(ks[4], (2, H))
    b0 = jnp.zeros((H,), jnp.float32)
    # SAGEConv layer 1: in=H -> out=H
    W_self1 = glorot(ks[5], (H, H))
    W_neigh1 = glorot(ks[6], (H, H))
    b1 = jnp.zeros((H,), jnp.float32)
    # Scorer MLP: H -> H -> 1
    Wsc1 = glorot(ks[7], (H, H))
    bsc1 = jnp.zeros((H,), jnp.float32)
    Wsc2 = glorot(ks[8], (H, 1))
    bsc2 = jnp.zeros((1,), jnp.float32)
    return {"edge_index": edge_index, "u_mask": u_mask, "v_mask": v_mask,
            "W_self0": W_self0, "W_neigh0": W_neigh0, "b0": b0,
            "W_self1": W_self1, "W_neigh1": W_neigh1, "b1": b1,
            "Wsc1": Wsc1, "bsc1": bsc1, "Wsc2": Wsc2, "bsc2": bsc2}

def _sage_layer(h, src, dst, deg, W_self, W_neigh, b):
    # DGL SAGEConv 'mean': mean of in-neighbor (src) features per dst node
    msg = jnp.take(h, src, axis=0)                      # gather [E, d]
    agg = jax.ops.segment_sum(msg, dst, num_segments=N)  # scatter-add [N, d]
    agg = agg / deg[:, None]
    return h @ W_self + agg @ W_neigh + b

def reference(edge_index, u_mask, v_mask,
              W_self0, W_neigh0, b0, W_self1, W_neigh1, b1,
              Wsc1, bsc1, Wsc2, bsc2):
    src = edge_index[0]
    dst = edge_index[1]
    deg = jax.ops.segment_sum(jnp.ones((E,), jnp.float32), dst, num_segments=N)
    deg = jnp.maximum(deg, 1.0)
    # _make_feat: feat[N,2], col0 = u_mask, col1 = v_mask
    feat = jnp.stack([u_mask.astype(jnp.float32), v_mask.astype(jnp.float32)], axis=1)
    h = feat
    h = jax.nn.relu(_sage_layer(h, src, dst, deg, W_self0, W_neigh0, b0))
    h = jax.nn.relu(_sage_layer(h, src, dst, deg, W_self1, W_neigh1, b1))
    # dgl.mean_nodes over single graph, then squeeze(0)
    h_graph = jnp.mean(h, axis=0)                        # [H]
    # Scorer MLP
    hidden = jax.nn.relu(h_graph @ Wsc1 + bsc1)
    out = hidden @ Wsc2 + bsc2                           # [1]
    return out

if __name__ == "__main__":
    import jax
    _d = setup_inputs()
    print(jax.jit(kernel)(*tuple(_d.values())))

</pallas_src>

<mosaic_0001>
#map = affine_map<(d0, d1) -> (0, 0)>
#map1 = affine_map<(d0, d1) -> (0)>
#map2 = affine_map<(d0, d1) -> (0, 0, 0)>
module attributes {stable_mosaic.version = 14 : i64} {
  func.func @body(%arg0: i32, %arg1: i32, %arg2: memref<10240x128xf32, #tpu.memory_space<hbm>>, %arg3: memref<323584xi32, #tpu.memory_space<hbm>>, %arg4: memref<323584xi32, #tpu.memory_space<hbm>>, %arg5: memref<2x10240x128xf32, #tpu.memory_space<hbm>>, %arg6: memref<128xi32, #tpu.memory_space<vmem>>, %arg7: memref<128xi32, #tpu.memory_space<vmem>>, %arg8: memref<128xi32, #tpu.memory_space<vmem>>, %arg9: memref<128xi32, #tpu.memory_space<vmem>>, %arg10: memref<128x128xf32, #tpu.memory_space<vmem>>, %arg11: memref<128x128xf32, #tpu.memory_space<vmem>>, %arg12: memref<10240x128xf32, #tpu.memory_space<vmem_shared>>, %arg13: memref<!tpu.dma_semaphore, #tpu.memory_space<semaphore_mem>>, %arg14: memref<!tpu.dma_semaphore, #tpu.memory_space<semaphore_mem>>, %arg15: memref<!tpu.dma_semaphore, #tpu.memory_space<semaphore_mem>>, %arg16: memref<!tpu.dma_semaphore, #tpu.memory_space<semaphore_mem>>) attributes {dimension_semantics = [#tpu.dimension_semantics<core_parallel>, #tpu.dimension_semantics<subcore_parallel>], iteration_bounds = array<i64: 2, 16>, scalar_prefetch = 0 : i64, scratch_operands = 11 : i64, tpu.core_type = #tpu.core_type<sc_vector_subcore>, window_params = [{transform_indices = #map}, {transform_indices = #map1}, {transform_indices = #map1}, {transform_indices = #map2}]} {
    %broadcast_in_dim3A = arith.constant 0.000000e+00 : f32
    %broadcast_in_dim3A_0 = vector.broadcast %broadcast_in_dim3A : f32 to vector<16xf32>
    %scan3A = arith.constant 0 : i32
    %scan3A_1 = arith.constant 0 : i32
    %scan3A_2 = arith.constant 128 : i32
    %scan3A_3 = arith.addi %scan3A_1, %scan3A_2 : i32
    %scan3A_4 = arith.constant 1 : i32
    scf.for %scan3A_76 = %scan3A_1 to %scan3A_3 step %scan3A_4  : i32 {
      %swap3A = arith.index_cast %scan3A_76 : i32 to index
      %swap3A_77 = arith.constant 0 : index
      %swap3A_78 = tpu.vector_load %arg10[%swap3A, %swap3A_77] {strides = array<i32>} : memref<128x128xf32, #tpu.memory_space<vmem>>, vector<1x16xf32>,
      %swap3A_79 = vector.shape_cast %swap3A_78 : vector<1x16xf32> to vector<16xf32>
      %swap3A_80 = vector.shape_cast %broadcast_in_dim3A_0 : vector<16xf32> to vector<1x16xf32>
      tpu.vector_store %arg10[%swap3A, %swap3A_77], %swap3A_80 {strides = array<i32>} : memref<128x128xf32, #tpu.memory_space<vmem>>, vector<1x16xf32>,
      %swap3A_81 = arith.index_cast %scan3A_76 : i32 to index
      %swap3A_82 = arith.constant 16 : index
      %swap3A_83 = tpu.vector_load %arg10[%swap3A_81, %swap3A_82] {strides = array<i32>} : memref<128x128xf32, #tpu.memory_space<vmem>>, vector<1x16xf32>,
      %swap3A_84 = vector.shape_cast %swap3A_83 : vector<1x16xf32> to vector<16xf32>
      %swap3A_85 = vector.shape_cast %broadcast_in_dim3A_0 : vector<16xf32> to vector<1x16xf32>
      tpu.vector_store %arg10[%swap3A_81, %swap3A_82], %swap3A_85 {strides = array<i32>} : memref<128x128xf32, #tpu.memory_space<vmem>>, vector<1x16xf32>,
      %swap3A_86 = arith.index_cast %scan3A_76 : i32 to index
      %swap3A_87 = arith.constant 32 : index
      %swap3A_88 = tpu.vector_load %arg10[%swap3A_86, %swap3A_87] {strides = array<i32>} : memref<128x128xf32, #tpu.memory_space<vmem>>, vector<1x16xf32>,
      %swap3A_89 = vector.shape_cast %swap3A_88 : vector<1x16xf32> to vector<16xf32>
      %swap3A_90 = vector.shape_cast %broadcast_in_dim3A_0 : vector<16xf32> to vector<1x16xf32>
      tpu.vector_store %arg10[%swap3A_86, %swap3A_87], %swap3A_90 {strides = array<i32>} : memref<128x128xf32, #tpu.memory_space<vmem>>, vector<1x16xf32>,
      %swap3A_91 = arith.index_cast %scan3A_76 : i32 to index
      %swap3A_92 = arith.constant 48 : index
      %swap3A_93 = tpu.vector_load %arg10[%swap3A_91, %swap3A_92] {strides = array<i32>} : memref<128x128xf32, #tpu.memory_space<vmem>>, vector<1x16xf32>,
      %swap3A_94 = vector.shape_cast %swap3A_93 : vector<1x16xf32> to vector<16xf32>
      %swap3A_95 = vector.shape_cast %broadcast_in_dim3A_0 : vector<16xf32> to vector<1x16xf32>
      tpu.vector_store %arg10[%swap3A_91, %swap3A_92], %swap3A_95 {strides = array<i32>} : memref<128x128xf32, #tpu.memory_space<vmem>>, vector<1x16xf32>,
      %swap3A_96 = arith.index_cast %scan3A_76 : i32 to index
      %swap3A_97 = arith.constant 64 : index
      %swap3A_98 = tpu.vector_load %arg10[%swap3A_96, %swap3A_97] {strides = array<i32>} : memref<128x128xf32, #tpu.memory_space<vmem>>, vector<1x16xf32>,
      %swap3A_99 = vector.shape_cast %swap3A_98 : vector<1x16xf32> to vector<16xf32>
      %swap3A_100 = vector.shape_cast %broadcast_in_dim3A_0 : vector<16xf32> to vector<1x16xf32>
      tpu.vector_store %arg10[%swap3A_96, %swap3A_97], %swap3A_100 {strides = array<i32>} : memref<128x128xf32, #tpu.memory_space<vmem>>, vector<1x16xf32>,
      %swap3A_101 = arith.index_cast %scan3A_76 : i32 to index
      %swap3A_102 = arith.constant 80 : index
      %swap3A_103 = tpu.vector_load %arg10[%swap3A_101, %swap3A_102] {strides = array<i32>} : memref<128x128xf32, #tpu.memory_space<vmem>>, vector<1x16xf32>,
      %swap3A_104 = vector.shape_cast %swap3A_103 : vector<1x16xf32> to vector<16xf32>
      %swap3A_105 = vector.shape_cast %broadcast_in_dim3A_0 : vector<16xf32> to vector<1x16xf32>
      tpu.vector_store %arg10[%swap3A_101, %swap3A_102], %swap3A_105 {strides = array<i32>} : memref<128x128xf32, #tpu.memory_space<vmem>>, vector<1x16xf32>,
      %swap3A_106 = arith.index_cast %scan3A_76 : i32 to index
      %swap3A_107 = arith.constant 96 : index
      %swap3A_108 = tpu.vector_load %arg10[%swap3A_106, %swap3A_107] {strides = array<i32>} : memref<128x128xf32, #tpu.memory_space<vmem>>, vector<1x16xf32>,
      %swap3A_109 = vector.shape_cast %swap3A_108 : vector<1x16xf32> to vector<16xf32>
      %swap3A_110 = vector.shape_cast %broadcast_in_dim3A_0 : vector<16xf32> to vector<1x16xf32>
      tpu.vector_store %arg10[%swap3A_106, %swap3A_107], %swap3A_110 {strides = array<i32>} : memref<128x128xf32, #tpu.memory_space<vmem>>, vector<1x16xf32>,
      %swap3A_111 = arith.index_cast %scan3A_76 : i32 to index
      %swap3A_112 = arith.constant 112 : index
      %swap3A_113 = tpu.vector_load %arg10[%swap3A_111, %swap3A_112] {strides = array<i32>} : memref<128x128xf32, #tpu.memory_space<vmem>>, vector<1x16xf32>,
      %swap3A_114 = vector.shape_cast %swap3A_113 : vector<1x16xf32> to vector<16xf32>
      %swap3A_115 = vector.shape_cast %broadcast_in_dim3A_0 : vector<16xf32> to vector<1x16xf32>
      tpu.vector_store %arg10[%swap3A_111, %swap3A_112], %swap3A_115 {strides = array<i32>} : memref<128x128xf32, #tpu.memory_space<vmem>>, vector<1x16xf32>,
    }
    %scan3A_5 = arith.constant 128 : i32
    %mul3A = arith.constant 640 : i32
    %mul3A_6 = arith.muli %arg1, %mul3A : i32
    %add3A = arith.constant 0 : i32
    %add3A_7 = arith.addi %mul3A_6, %add3A : i32
    "tpu.region"() ({
      %run_scoped3A = tpu.sem_alloc : memref<!tpu.dma_semaphore, #tpu.memory_space<semaphore_mem>>
      %dma_start3A_76 = arith.constant 0 : i32
      %dma_start3A_77 = tpu.memref_slice %arg12[%add3A_7, %dma_start3A_76] : memref<10240x128xf32, #tpu.memory_space<vmem_shared>> -> memref<128x128xf32, #tpu.memory_space<vmem_shared>>
      %dma_start3A_78 = arith.constant 0 : i32
      %dma_start3A_79 = tpu.memref_slice %arg12[%add3A_7, %dma_start3A_78] : memref<10240x128xf32, #tpu.memory_space<vmem_shared>> -> memref<128x128xf32, #tpu.memory_space<vmem_shared>>
      tpu.enqueue_dma source(%arg10 : memref<128x128xf32, #tpu.memory_space<vmem>>) target(%dma_start3A_79 : memref<128x128xf32, #tpu.memory_space<vmem_shared>>) target_semaphore(%run_scoped3A : memref<!tpu.dma_semaphore, #tpu.memory_space<semaphore_mem>>)
      %dma_wait3A_80 = arith.constant 0 : i32
      %dma_wait3A_81 = tpu.memref_slice %arg12[%add3A_7, %dma_wait3A_80] : memref<10240x128xf32, #tpu.memory_space<vmem_shared>> -> memref<128x128xf32, #tpu.memory_space<vmem_shared>>
      %dma_wait3A_82 = arith.constant 0 : i32
      %dma_wait3A_83 = tpu.memref_slice %arg12[%add3A_7, %dma_wait3A_82] : memref<10240x128xf32, #tpu.memory_space<vmem_shared>> -> memref<128x128xf32, #tpu.memory_space<vmem_shared>>
      tpu.wait_dma2 semaphore(%run_scoped3A : memref<!tpu.dma_semaphore, #tpu.memory_space<semaphore_mem>>) src(%arg10 : memref<128x128xf32, #tpu.memory_space<vmem>>) dst(%dma_wait3A_83 : memref<128x128xf32, #tpu.memory_space<vmem_shared>>)
      tpu.yield
    }) : () -> ()
    %add3A_8 = arith.constant 128 : i32
    %add3A_9 = arith.addi %mul3A_6, %add3A_8 : i32
    "tpu.region"() ({
      %run_scoped3A = tpu.sem_alloc : memref<!tpu.dma_semaphore, #tpu.memory_space<semaphore_mem>>
      %dma_start3A_76 = arith.constant 0 : i32
      %dma_start3A_77 = tpu.memref_slice %arg12[%add3A_9, %dma_start3A_76] : memref<10240x128xf32, #tpu.memory_space<vmem_shared>> -> memref<128x128xf32, #tpu.memory_space<vmem_shared>>
      %dma_start3A_78 = arith.constant 0 : i32
      %dma_start3A_79 = tpu.memref_slice %arg12[%add3A_9, %dma_start3A_78] : memref<10240x128xf32, #tpu.memory_space<vmem_shared>> -> memref<128x128xf32, #tpu.memory_space<vmem_shared>>
      tpu.enqueue_dma source(%arg10 : memref<128x128xf32, #tpu.memory_space<vmem>>) target(%dma_start3A_79 : memref<128x128xf32, #tpu.memory_space<vmem_shared>>) target_semaphore(%run_scoped3A : memref<!tpu.dma_semaphore, #tpu.memory_space<semaphore_mem>>)
      %dma_wait3A_80 = arith.constant 0 : i32
      %dma_wait3A_81 = tpu.memref_slice %arg12[%add3A_9, %dma_wait3A_80] : memref<10240x128xf32, #tpu.memory_space<vmem_shared>> -> memref<128x128xf32, #tpu.memory_space<vmem_shared>>
      %dma_wait3A_82 = arith.constant 0 : i32
      %dma_wait3A_83 = tpu.memref_slice %arg12[%add3A_9, %dma_wait3A_82] : memref<10240x128xf32, #tpu.memory_space<vmem_shared>> -> memref<128x128xf32, #tpu.memory_space<vmem_shared>>
      tpu.wait_dma2 semaphore(%run_scoped3A : memref<!tpu.dma_semaphore, #tpu.memory_space<semaphore_mem>>) src(%arg10 : memref<128x128xf32, #tpu.memory_space<vmem>>) dst(%dma_wait3A_83 : memref<128x128xf32, #tpu.memory_space<vmem_shared>>)
      tpu.yield
    }) : () -> ()
    %add3A_10 = arith.constant 256 : i32
    %add3A_11 = arith.addi %mul3A_6, %add3A_10 : i32
    "tpu.region"() ({
      %run_scoped3A = tpu.sem_alloc : memref<!tpu.dma_semaphore, #tpu.memory_space<semaphore_mem>>
      %dma_start3A_76 = arith.constant 0 : i32
      %dma_start3A_77 = tpu.memref_slice %arg12[%add3A_11, %dma_start3A_76] : memref<10240x128xf32, #tpu.memory_space<vmem_shared>> -> memref<128x128xf32, #tpu.memory_space<vmem_shared>>
      %dma_start3A_78 = arith.constant 0 : i32
      %dma_start3A_79 = tpu.memref_slice %arg12[%add3A_11, %dma_start3A_78] : memref<10240x128xf32, #tpu.memory_space<vmem_shared>> -> memref<128x128xf32, #tpu.memory_space<vmem_shared>>
      tpu.enqueue_dma source(%arg10 : memref<128x128xf32, #tpu.memory_space<vmem>>) target(%dma_start3A_79 : memref<128x128xf32, #tpu.memory_space<vmem_shared>>) target_semaphore(%run_scoped3A : memref<!tpu.dma_semaphore, #tpu.memory_space<semaphore_mem>>)
      %dma_wait3A_80 = arith.constant 0 : i32
      %dma_wait3A_81 = tpu.memref_slice %arg12[%add3A_11, %dma_wait3A_80] : memref<10240x128xf32, #tpu.memory_space<vmem_shared>> -> memref<128x128xf32, #tpu.memory_space<vmem_shared>>
      %dma_wait3A_82 = arith.constant 0 : i32
      %dma_wait3A_83 = tpu.memref_slice %arg12[%add3A_11, %dma_wait3A_82] : memref<10240x128xf32, #tpu.memory_space<vmem_shared>> -> memref<128x128xf32, #tpu.memory_space<vmem_shared>>
      tpu.wait_dma2 semaphore(%run_scoped3A : memref<!tpu.dma_semaphore, #tpu.memory_space<semaphore_mem>>) src(%arg10 : memref<128x128xf32, #tpu.memory_space<vmem>>) dst(%dma_wait3A_83 : memref<128x128xf32, #tpu.memory_space<vmem_shared>>)
      tpu.yield
    }) : () -> ()
    %add3A_12 = arith.constant 384 : i32
    %add3A_13 = arith.addi %mul3A_6, %add3A_12 : i32
    "tpu.region"() ({
      %run_scoped3A = tpu.sem_alloc : memref<!tpu.dma_semaphore, #tpu.memory_space<semaphore_mem>>
      %dma_start3A_76 = arith.constant 0 : i32
      %dma_start3A_77 = tpu.memref_slice %arg12[%add3A_13, %dma_start3A_76] : memref<10240x128xf32, #tpu.memory_space<vmem_shared>> -> memref<128x128xf32, #tpu.memory_space<vmem_shared>>
      %dma_start3A_78 = arith.constant 0 : i32
      %dma_start3A_79 = tpu.memref_slice %arg12[%add3A_13, %dma_start3A_78] : memref<10240x128xf32, #tpu.memory_space<vmem_shared>> -> memref<128x128xf32, #tpu.memory_space<vmem_shared>>
      tpu.enqueue_dma source(%arg10 : memref<128x128xf32, #tpu.memory_space<vmem>>) target(%dma_start3A_79 : memref<128x128xf32, #tpu.memory_space<vmem_shared>>) target_semaphore(%run_scoped3A : memref<!tpu.dma_semaphore, #tpu.memory_space<semaphore_mem>>)
      %dma_wait3A_80 = arith.constant 0 : i32
      %dma_wait3A_81 = tpu.memref_slice %arg12[%add3A_13, %dma_wait3A_80] : memref<10240x128xf32, #tpu.memory_space<vmem_shared>> -> memref<128x128xf32, #tpu.memory_space<vmem_shared>>
      %dma_wait3A_82 = arith.constant 0 : i32
      %dma_wait3A_83 = tpu.memref_slice %arg12[%add3A_13, %dma_wait3A_82] : memref<10240x128xf32, #tpu.memory_space<vmem_shared>> -> memref<128x128xf32, #tpu.memory_space<vmem_shared>>
      tpu.wait_dma2 semaphore(%run_scoped3A : memref<!tpu.dma_semaphore, #tpu.memory_space<semaphore_mem>>) src(%arg10 : memref<128x128xf32, #tpu.memory_space<vmem>>) dst(%dma_wait3A_83 : memref<128x128xf32, #tpu.memory_space<vmem_shared>>)
      tpu.yield
    }) : () -> ()
    %add3A_14 = arith.constant 512 : i32
    %add3A_15 = arith.addi %mul3A_6, %add3A_14 : i32
    "tpu.region"() ({
      %run_scoped3A = tpu.sem_alloc : memref<!tpu.dma_semaphore, #tpu.memory_space<semaphore_mem>>
      %dma_start3A_76 = arith.constant 0 : i32
      %dma_start3A_77 = tpu.memref_slice %arg12[%add3A_15, %dma_start3A_76] : memref<10240x128xf32, #tpu.memory_space<vmem_shared>> -> memref<128x128xf32, #tpu.memory_space<vmem_shared>>
      %dma_start3A_78 = arith.constant 0 : i32
      %dma_start3A_79 = tpu.memref_slice %arg12[%add3A_15, %dma_start3A_78] : memref<10240x128xf32, #tpu.memory_space<vmem_shared>> -> memref<128x128xf32, #tpu.memory_space<vmem_shared>>
      tpu.enqueue_dma source(%arg10 : memref<128x128xf32, #tpu.memory_space<vmem>>) target(%dma_start3A_79 : memref<128x128xf32, #tpu.memory_space<vmem_shared>>) target_semaphore(%run_scoped3A : memref<!tpu.dma_semaphore, #tpu.memory_space<semaphore_mem>>)
      %dma_wait3A_80 = arith.constant 0 : i32
      %dma_wait3A_81 = tpu.memref_slice %arg12[%add3A_15, %dma_wait3A_80] : memref<10240x128xf32, #tpu.memory_space<vmem_shared>> -> memref<128x128xf32, #tpu.memory_space<vmem_shared>>
      %dma_wait3A_82 = arith.constant 0 : i32
      %dma_wait3A_83 = tpu.memref_slice %arg12[%add3A_15, %dma_wait3A_82] : memref<10240x128xf32, #tpu.memory_space<vmem_shared>> -> memref<128x128xf32, #tpu.memory_space<vmem_shared>>
      tpu.wait_dma2 semaphore(%run_scoped3A : memref<!tpu.dma_semaphore, #tpu.memory_space<semaphore_mem>>) src(%arg10 : memref<128x128xf32, #tpu.memory_space<vmem>>) dst(%dma_wait3A_83 : memref<128x128xf32, #tpu.memory_space<vmem_shared>>)
      tpu.yield
    }) : () -> ()
    %barrier3A = arith.constant 0 : index
    tpu.barrier barrier_id(%barrier3A)
    %eq3A = arith.constant 0 : i32
    %eq3A_16 = arith.cmpi eq, %arg0, %eq3A : i32
    %jit3A = arith.constant 129 : i32
    %jit3A_17 = arith.constant 29 : i32
    %select_n3A = arith.select %eq3A_16, %jit3A, %jit3A_17 : i32
    %eq3A_18 = arith.constant 0 : i32
    %eq3A_19 = arith.cmpi eq, %arg0, %eq3A_18 : i32
    %mul3A_20 = arith.constant 16512 : i32
    %mul3A_21 = arith.muli %arg1, %mul3A_20 : i32
    %mul3A_22 = arith.constant 3712 : i32
    %mul3A_23 = arith.muli %arg1, %mul3A_22 : i32
    %add3A_24 = arith.constant 264192 : i32
    %add3A_25 = arith.addi %add3A_24, %mul3A_23 : i32
    %select_n3A_26 = arith.select %eq3A_19, %mul3A_21, %add3A_25 : i32
    %add3A_27 = arith.constant 0 : i32
    %add3A_28 = arith.addi %select_n3A_26, %add3A_27 : i32
    "tpu.region"() ({
      %run_scoped3A = tpu.sem_alloc : memref<!tpu.dma_semaphore, #tpu.memory_space<semaphore_mem>>
      %dma_start3A_76 = tpu.memref_slice %arg3[%add3A_28] : memref<323584xi32, #tpu.memory_space<hbm>> -> memref<128xi32, #tpu.memory_space<hbm>>
      %dma_start3A_77 = tpu.memref_slice %arg3[%add3A_28] : memref<323584xi32, #tpu.memory_space<hbm>> -> memref<128xi32, #tpu.memory_space<hbm>>
      tpu.enqueue_dma source(%dma_start3A_77 : memref<128xi32, #tpu.memory_space<hbm>>) target(%arg6 : memref<128xi32, #tpu.memory_space<vmem>>) target_semaphore(%run_scoped3A : memref<!tpu.dma_semaphore, #tpu.memory_space<semaphore_mem>>)
      %dma_wait3A_78 = tpu.memref_slice %arg3[%add3A_28] : memref<323584xi32, #tpu.memory_space<hbm>> -> memref<128xi32, #tpu.memory_space<hbm>>
      %dma_wait3A_79 = tpu.memref_slice %arg3[%add3A_28] : memref<323584xi32, #tpu.memory_space<hbm>> -> memref<128xi32, #tpu.memory_space<hbm>>
      tpu.wait_dma2 semaphore(%run_scoped3A : memref<!tpu.dma_semaphore, #tpu.memory_space<semaphore_mem>>) src(%dma_wait3A_79 : memref<128xi32, #tpu.memory_space<hbm>>) dst(%arg6 : memref<128xi32, #tpu.memory_space<vmem>>)
      tpu.yield
    }) : () -> ()
    "tpu.region"() ({
      %run_scoped3A = tpu.sem_alloc : memref<!tpu.dma_semaphore, #tpu.memory_space<semaphore_mem>>
      %dma_start3A_76 = tpu.memref_slice %arg4[%add3A_28] : memref<323584xi32, #tpu.memory_space<hbm>> -> memref<128xi32, #tpu.memory_space<hbm>>
      %dma_start3A_77 = tpu.memref_slice %arg4[%add3A_28] : memref<323584xi32, #tpu.memory_space<hbm>> -> memref<128xi32, #tpu.memory_space<hbm>>
      tpu.enqueue_dma source(%dma_start3A_77 : memref<128xi32, #tpu.memory_space<hbm>>) target(%arg8 : memref<128xi32, #tpu.memory_space<vmem>>) target_semaphore(%run_scoped3A : memref<!tpu.dma_semaphore, #tpu.memory_space<semaphore_mem>>)
      %dma_wait3A_78 = tpu.memref_slice %arg4[%add3A_28] : memref<323584xi32, #tpu.memory_space<hbm>> -> memref<128xi32, #tpu.memory_space<hbm>>
      %dma_wait3A_79 = tpu.memref_slice %arg4[%add3A_28] : memref<323584xi32, #tpu.memory_space<hbm>> -> memref<128xi32, #tpu.memory_space<hbm>>
      tpu.wait_dma2 semaphore(%run_scoped3A : memref<!tpu.dma_semaphore, #tpu.memory_space<semaphore_mem>>) src(%dma_wait3A_79 : memref<128xi32, #tpu.memory_space<hbm>>) dst(%arg8 : memref<128xi32, #tpu.memory_space<vmem>>)
      tpu.yield
    }) : () -> ()
    %dma_start3A = arith.constant 0 : i32
    %dma_start3A_29 = arith.constant 0 : i32
    %dma_start3A_30 = tpu.memref_slice %arg2[%dma_start3A, %dma_start3A_29] : memref<10240x128xf32, #tpu.memory_space<hbm>> -> memref<10240x128xf32, #tpu.memory_space<hbm>>
    tpu.enqueue_indirect_dma source(%dma_start3A_30 : memref<10240x128xf32, #tpu.memory_space<hbm>>) target(%arg10 : memref<128x128xf32, #tpu.memory_space<vmem>>) offsets(%arg6 : memref<128xi32, #tpu.memory_space<vmem>>) semaphore(%arg13 : memref<!tpu.dma_semaphore, #tpu.memory_space<semaphore_mem>>)
    %add3A_31 = arith.constant 1 : i32
    %add3A_32 = arith.addi %select_n3A, %add3A_31 : i32
    %jit3A_33 = arith.constant 2 : i32
    %div3A = arith.divsi %add3A_32, %jit3A_33 : i32
    %sign3A = arith.constant 0 : i32
    %sign3A_34 = arith.cmpi sgt, %add3A_32, %sign3A : i32
    %sign3A_35 = arith.extui %sign3A_34 : i1 to i32
    %sign3A_36 = arith.constant 0 : i32
    %sign3A_37 = arith.cmpi slt, %add3A_32, %sign3A_36 : i32
    %sign3A_38 = arith.extui %sign3A_37 : i1 to i32
    %sign3A_39 = arith.subi %sign3A_35, %sign3A_38 : i32
    %sign3A_40 = arith.constant 0 : i32
    %sign3A_41 = arith.cmpi sgt, %jit3A_33, %sign3A_40 : i32
    %sign3A_42 = arith.extui %sign3A_41 : i1 to i32
    %sign3A_43 = arith.constant 0 : i32
    %sign3A_44 = arith.cmpi slt, %jit3A_33, %sign3A_43 : i32
    %sign3A_45 = arith.extui %sign3A_44 : i1 to i32
    %sign3A_46 = arith.subi %sign3A_42, %sign3A_45 : i32
    %ne3A = arith.cmpi ne, %sign3A_39, %sign3A_46 : i32
    %rem3A = arith.remsi %add3A_32, %jit3A_33 : i32
    %ne3A_47 = arith.constant 0 : i32
    %ne3A_48 = arith.cmpi ne, %rem3A, %ne3A_47 : i32
    %and3A = arith.andi %ne3A, %ne3A_48 : i1
    %sub3A = arith.constant 1 : i32
    %sub3A_49 = arith.subi %div3A, %sub3A : i32
    %select_n3A_50 = arith.select %and3A, %sub3A_49, %div3A : i32
    %while3A = arith.constant 0 : i32
    %while3A_51 = arith.constant 0 : i32
    %while3A_52 = arith.subi %select_n3A_50, %while3A_51 : i32
    %while3A_53 = arith.addi %while3A_51, %while3A_52 : i32
    %while3A_54 = arith.constant 1 : i32
    %while3A_55 = arith.divsi %while3A_52, %while3A_54 : i32
    %while3A_56 = arith.muli %while3A_55, %while3A_54 : i32
    %while3A_57 = arith.addi %while3A_51, %while3A_56 : i32
    %while3A_58 = arith.constant 1 : i32
    scf.for %while3A_76 = %while3A_51 to %while3A_57 step %while3A_58  : i32 {
      %mul3A_77 = arith.constant 2 : i32
      %mul3A_78 = arith.muli %while3A_76, %mul3A_77 : i32
      %add3A_79 = arith.constant 0 : i32
      %add3A_80 = arith.addi %mul3A_78, %add3A_79 : i32
      %add3A_81 = arith.constant 1 : i32
      %add3A_82 = arith.addi %add3A_80, %add3A_81 : i32
      %lt3A = arith.cmpi slt, %add3A_82, %select_n3A : i32
      %ge3A = arith.constant 1 : i32
      %ge3A_83 = arith.cmpi sge, %add3A_80, %ge3A : i32
      %and3A_84 = arith.andi %lt3A, %ge3A_83 : i1
      %convert_element_type3A = arith.extui %and3A_84 : i1 to i32
      %cond3A = arith.constant 0 : i32
      %cond3A_85 = arith.cmpi ne, %convert_element_type3A, %cond3A : i32
      scf.if %cond3A_85 {
        %dma_wait3A_119 = arith.constant 0 : i32
        %dma_wait3A_120 = arith.constant 0 : i32
        %dma_wait3A_121 = tpu.memref_slice %arg12[%dma_wait3A_119, %dma_wait3A_120] : memref<10240x128xf32, #tpu.memory_space<vmem_shared>> -> memref<10240x128xf32, #tpu.memory_space<vmem_shared>>
        tpu.wait_indirect_dma semaphore(%arg16 : memref<!tpu.dma_semaphore, #tpu.memory_space<semaphore_mem>>) src(%arg11 : memref<128x128xf32, #tpu.memory_space<vmem>>) dst(%dma_wait3A_121 : memref<10240x128xf32, #tpu.memory_space<vmem_shared>>)
      } else {
      }
      %add3A_86 = arith.constant 1 : i32
      %add3A_87 = arith.addi %add3A_80, %add3A_86 : i32
      %lt3A_88 = arith.cmpi slt, %add3A_87, %select_n3A : i32
      %convert_element_type3A_89 = arith.extui %lt3A_88 : i1 to i32
      %cond3A_90 = arith.constant 0 : i32
      %cond3A_91 = arith.cmpi ne, %convert_element_type3A_89, %cond3A_90 : i32
      scf.if %cond3A_91 {
        %add3A_119 = arith.constant 1 : i32
        %add3A_120 = arith.addi %add3A_80, %add3A_119 : i32
        %mul3A_121 = arith.constant 128 : i32
        %mul3A_122 = arith.muli %add3A_120, %mul3A_121 : i32
        %add3A_123 = arith.addi %select_n3A_26, %mul3A_122 : i32
        "tpu.region"() ({
          %run_scoped3A = tpu.sem_alloc : memref<!tpu.dma_semaphore, #tpu.memory_space<semaphore_mem>>
          %dma_start3A_127 = tpu.memref_slice %arg3[%add3A_123] : memref<323584xi32, #tpu.memory_space<hbm>> -> memref<128xi32, #tpu.memory_space<hbm>>
          %dma_start3A_128 = tpu.memref_slice %arg3[%add3A_123] : memref<323584xi32, #tpu.memory_space<hbm>> -> memref<128xi32, #tpu.memory_space<hbm>>
          tpu.enqueue_dma source(%dma_start3A_128 : memref<128xi32, #tpu.memory_space<hbm>>) target(%arg7 : memref<128xi32, #tpu.memory_space<vmem>>) target_semaphore(%run_scoped3A : memref<!tpu.dma_semaphore, #tpu.memory_space<semaphore_mem>>)
          %dma_wait3A_129 = tpu.memref_slice %arg3[%add3A_123] : memref<323584xi32, #tpu.memory_space<hbm>> -> memref<128xi32, #tpu.memory_space<hbm>>
          %dma_wait3A_130 = tpu.memref_slice %arg3[%add3A_123] : memref<323584xi32, #tpu.memory_space<hbm>> -> memref<128xi32, #tpu.memory_space<hbm>>
          tpu.wait_dma2 semaphore(%run_scoped3A : memref<!tpu.dma_semaphore, #tpu.memory_space<semaphore_mem>>) src(%dma_wait3A_130 : memref<128xi32, #tpu.memory_space<hbm>>) dst(%arg7 : memref<128xi32, #tpu.memory_space<vmem>>)
          tpu.yield
        }) : () -> ()
        "tpu.region"() ({
          %run_scoped3A = tpu.sem_alloc : memref<!tpu.dma_semaphore, #tpu.memory_space<semaphore_mem>>
          %dma_start3A_127 = tpu.memref_slice %arg4[%add3A_123] : memref<323584xi32, #tpu.memory_space<hbm>> -> memref<128xi32, #tpu.memory_space<hbm>>
          %dma_start3A_128 = tpu.memref_slice %arg4[%add3A_123] : memref<323584xi32, #tpu.memory_space<hbm>> -> memref<128xi32, #tpu.memory_space<hbm>>
          tpu.enqueue_dma source(%dma_start3A_128 : memref<128xi32, #tpu.memory_space<hbm>>) target(%arg9 : memref<128xi32, #tpu.memory_space<vmem>>) target_semaphore(%run_scoped3A : memref<!tpu.dma_semaphore, #tpu.memory_space<semaphore_mem>>)
          %dma_wait3A_129 = tpu.memref_slice %arg4[%add3A_123] : memref<323584xi32, #tpu.memory_space<hbm>> -> memref<128xi32, #tpu.memory_space<hbm>>
          %dma_wait3A_130 = tpu.memref_slice %arg4[%add3A_123] : memref<323584xi32, #tpu.memory_space<hbm>> -> memref<128xi32, #tpu.memory_space<hbm>>
          tpu.wait_dma2 semaphore(%run_scoped3A : memref<!tpu.dma_semaphore, #tpu.memory_space<semaphore_mem>>) src(%dma_wait3A_130 : memref<128xi32, #tpu.memory_space<hbm>>) dst(%arg9 : memref<128xi32, #tpu.memory_space<vmem>>)
          tpu.yield
        }) : () -> ()
        %dma_start3A_124 = arith.constant 0 : i32
        %dma_start3A_125 = arith.constant 0 : i32
        %dma_start3A_126 = tpu.memref_slice %arg2[%dma_start3A_124, %dma_start3A_125] : memref<10240x128xf32, #tpu.memory_space<hbm>> -> memref<10240x128xf32, #tpu.memory_space<hbm>>
        tpu.enqueue_indirect_dma source(%dma_start3A_126 : memref<10240x128xf32, #tpu.memory_space<hbm>>) target(%arg11 : memref<128x128xf32, #tpu.memory_space<vmem>>) offsets(%arg7 : memref<128xi32, #tpu.memory_space<vmem>>) semaphore(%arg14 : memref<!tpu.dma_semaphore, #tpu.memory_space<semaphore_mem>>)
      } else {
      }
      %lt3A_92 = arith.cmpi slt, %add3A_80, %select_n3A : i32
      %convert_element_type3A_93 = arith.extui %lt3A_92 : i1 to i32
      %cond3A_94 = arith.constant 0 : i32
      %cond3A_95 = arith.cmpi ne, %convert_element_type3A_93, %cond3A_94 : i32
      scf.if %cond3A_95 {
        %dma_wait3A_119 = arith.constant 0 : i32
        %dma_wait3A_120 = arith.constant 0 : i32
        %dma_wait3A_121 = tpu.memref_slice %arg2[%dma_wait3A_119, %dma_wait3A_120] : memref<10240x128xf32, #tpu.memory_space<hbm>> -> memref<10240x128xf32, #tpu.memory_space<hbm>>
        tpu.wait_indirect_dma semaphore(%arg13 : memref<!tpu.dma_semaphore, #tpu.memory_space<semaphore_mem>>) src(%dma_wait3A_121 : memref<10240x128xf32, #tpu.memory_space<hbm>>) dst(%arg10 : memref<128x128xf32, #tpu.memory_space<vmem>>)
        %dma_start3A_122 = arith.constant 0 : i32
        %dma_start3A_123 = arith.constant 0 : i32
        %dma_start3A_124 = tpu.memref_slice %arg12[%dma_start3A_122, %dma_start3A_123] : memref<10240x128xf32, #tpu.memory_space<vmem_shared>> -> memref<10240x128xf32, #tpu.memory_space<vmem_shared>>
        tpu.enqueue_indirect_dma source(%arg10 : memref<128x128xf32, #tpu.memory_space<vmem>>) target(%dma_start3A_124 : memref<10240x128xf32, #tpu.memory_space<vmem_shared>>) offsets(%arg8 : memref<128xi32, #tpu.memory_space<vmem>>) semaphore(%arg15 : memref<!tpu.dma_semaphore, #tpu.memory_space<semaphore_mem>>) {add = true}
      } else {
      }
      %mul3A_96 = arith.constant 2 : i32
      %mul3A_97 = arith.muli %while3A_76, %mul3A_96 : i32
      %add3A_98 = arith.constant 1 : i32
      %add3A_99 = arith.addi %mul3A_97, %add3A_98 : i32
      %add3A_100 = arith.constant 1 : i32
      %add3A_101 = arith.addi %add3A_99, %add3A_100 : i32
      %lt3A_102 = arith.cmpi slt, %add3A_101, %select_n3A : i32
      %ge3A_103 = arith.constant 1 : i32
      %ge3A_104 = arith.cmpi sge, %add3A_99, %ge3A_103 : i32
      %and3A_105 = arith.andi %lt3A_102, %ge3A_104 : i1
      %convert_element_type3A_106 = arith.extui %and3A_105 : i1 to i32
      %cond3A_107 = arith.constant 0 : i32
      %cond3A_108 = arith.cmpi ne, %convert_element_type3A_106, %cond3A_107 : i32
      scf.if %cond3A_108 {
        %dma_wait3A_119 = arith.constant 0 : i32
        %dma_wait3A_120 = arith.constant 0 : i32
        %dma_wait3A_121 = tpu.memref_slice %arg12[%dma_wait3A_119, %dma_wait3A_120] : memref<10240x128xf32, #tpu.memory_space<vmem_shared>> -> memref<10240x128xf32, #tpu.memory_space<vmem_shared>>
        tpu.wait_indirect_dma semaphore(%arg15 : memref<!tpu.dma_semaphore, #tpu.memory_space<semaphore_mem>>) src(%arg10 : memref<128x128xf32, #tpu.memory_space<vmem>>) dst(%dma_wait3A_121 : memref<10240x128xf32, #tpu.memory_space<vmem_shared>>)
      } else {
      }
      %add3A_109 = arith.constant 1 : i32
      %add3A_110 = arith.addi %add3A_99, %add3A_109 : i32
      %lt3A_111 = arith.cmpi slt, %add3A_110, %select_n3A : i32
      %convert_element_type3A_112 = arith.extui %lt3A_111 : i1 to i32
      %cond3A_113 = arith.constant 0 : i32
      %cond3A_114 = arith.cmpi ne, %convert_element_type3A_112, %cond3A_113 : i32
      scf.if %cond3A_114 {
        %add3A_119 = arith.constant 1 : i32
        %add3A_120 = arith.addi %add3A_99, %add3A_119 : i32
        %mul3A_121 = arith.constant 128 : i32
        %mul3A_122 = arith.muli %add3A_120, %mul3A_121 : i32
        %add3A_123 = arith.addi %select_n3A_26, %mul3A_122 : i32
        "tpu.region"() ({
          %run_scoped3A = tpu.sem_alloc : memref<!tpu.dma_semaphore, #tpu.memory_space<semaphore_mem>>
          %dma_start3A_127 = tpu.memref_slice %arg3[%add3A_123] : memref<323584xi32, #tpu.memory_space<hbm>> -> memref<128xi32, #tpu.memory_space<hbm>>
          %dma_start3A_128 = tpu.memref_slice %arg3[%add3A_123] : memref<323584xi32, #tpu.memory_space<hbm>> -> memref<128xi32, #tpu.memory_space<hbm>>
          tpu.enqueue_dma source(%dma_start3A_128 : memref<128xi32, #tpu.memory_space<hbm>>) target(%arg6 : memref<128xi32, #tpu.memory_space<vmem>>) target_semaphore(%run_scoped3A : memref<!tpu.dma_semaphore, #tpu.memory_space<semaphore_mem>>)
          %dma_wait3A_129 = tpu.memref_slice %arg3[%add3A_123] : memref<323584xi32, #tpu.memory_space<hbm>> -> memref<128xi32, #tpu.memory_space<hbm>>
          %dma_wait3A_130 = tpu.memref_slice %arg3[%add3A_123] : memref<323584xi32, #tpu.memory_space<hbm>> -> memref<128xi32, #tpu.memory_space<hbm>>
          tpu.wait_dma2 semaphore(%run_scoped3A : memref<!tpu.dma_semaphore, #tpu.memory_space<semaphore_mem>>) src(%dma_wait3A_130 : memref<128xi32, #tpu.memory_space<hbm>>) dst(%arg6 : memref<128xi32, #tpu.memory_space<vmem>>)
          tpu.yield
        }) : () -> ()
        "tpu.region"() ({
          %run_scoped3A = tpu.sem_alloc : memref<!tpu.dma_semaphore, #tpu.memory_space<semaphore_mem>>
          %dma_start3A_127 = tpu.memref_slice %arg4[%add3A_123] : memref<323584xi32, #tpu.memory_space<hbm>> -> memref<128xi32, #tpu.memory_space<hbm>>
          %dma_start3A_128 = tpu.memref_slice %arg4[%add3A_123] : memref<323584xi32, #tpu.memory_space<hbm>> -> memref<128xi32, #tpu.memory_space<hbm>>
          tpu.enqueue_dma source(%dma_start3A_128 : memref<128xi32, #tpu.memory_space<hbm>>) target(%arg8 : memref<128xi32, #tpu.memory_space<vmem>>) target_semaphore(%run_scoped3A : memref<!tpu.dma_semaphore, #tpu.memory_space<semaphore_mem>>)
          %dma_wait3A_129 = tpu.memref_slice %arg4[%add3A_123] : memref<323584xi32, #tpu.memory_space<hbm>> -> memref<128xi32, #tpu.memory_space<hbm>>
          %dma_wait3A_130 = tpu.memref_slice %arg4[%add3A_123] : memref<323584xi32, #tpu.memory_space<hbm>> -> memref<128xi32, #tpu.memory_space<hbm>>
          tpu.wait_dma2 semaphore(%run_scoped3A : memref<!tpu.dma_semaphore, #tpu.memory_space<semaphore_mem>>) src(%dma_wait3A_130 : memref<128xi32, #tpu.memory_space<hbm>>) dst(%arg8 : memref<128xi32, #tpu.memory_space<vmem>>)
          tpu.yield
        }) : () -> ()
        %dma_start3A_124 = arith.constant 0 : i32
        %dma_start3A_125 = arith.constant 0 : i32
        %dma_start3A_126 = tpu.memref_slice %arg2[%dma_start3A_124, %dma_start3A_125] : memref<10240x128xf32, #tpu.memory_space<hbm>> -> memref<10240x128xf32, #tpu.memory_space<hbm>>
        tpu.enqueue_indirect_dma source(%dma_start3A_126 : memref<10240x128xf32, #tpu.memory_space<hbm>>) target(%arg10 : memref<128x128xf32, #tpu.memory_space<vmem>>) offsets(%arg6 : memref<128xi32, #tpu.memory_space<vmem>>) semaphore(%arg13 : memref<!tpu.dma_semaphore, #tpu.memory_space<semaphore_mem>>)
      } else {
      }
      %lt3A_115 = arith.cmpi slt, %add3A_99, %select_n3A : i32
      %convert_element_type3A_116 = arith.extui %lt3A_115 : i1 to i32
      %cond3A_117 = arith.constant 0 : i32
      %cond3A_118 = arith.cmpi ne, %convert_element_type3A_116, %cond3A_117 : i32
      scf.if %cond3A_118 {
        %dma_wait3A_119 = arith.constant 0 : i32
        %dma_wait3A_120 = arith.constant 0 : i32
        %dma_wait3A_121 = tpu.memref_slice %arg2[%dma_wait3A_119, %dma_wait3A_120] : memref<10240x128xf32, #tpu.memory_space<hbm>> -> memref<10240x128xf32, #tpu.memory_space<hbm>>
        tpu.wait_indirect_dma semaphore(%arg14 : memref<!tpu.dma_semaphore, #tpu.memory_space<semaphore_mem>>) src(%dma_wait3A_121 : memref<10240x128xf32, #tpu.memory_space<hbm>>) dst(%arg11 : memref<128x128xf32, #tpu.memory_space<vmem>>)
        %dma_start3A_122 = arith.constant 0 : i32
        %dma_start3A_123 = arith.constant 0 : i32
        %dma_start3A_124 = tpu.memref_slice %arg12[%dma_start3A_122, %dma_start3A_123] : memref<10240x128xf32, #tpu.memory_space<vmem_shared>> -> memref<10240x128xf32, #tpu.memory_space<vmem_shared>>
        tpu.enqueue_indirect_dma source(%arg11 : memref<128x128xf32, #tpu.memory_space<vmem>>) target(%dma_start3A_124 : memref<10240x128xf32, #tpu.memory_space<vmem_shared>>) offsets(%arg9 : memref<128xi32, #tpu.memory_space<vmem>>) semaphore(%arg16 : memref<!tpu.dma_semaphore, #tpu.memory_space<semaphore_mem>>) {add = true}
      } else {
      }
    }
    %while3A_59 = arith.constant 1 : i32
    scf.for %while3A_76 = %while3A_57 to %while3A_53 step %while3A_59  : i32 {
      %mul3A_77 = arith.constant 2 : i32
      %mul3A_78 = arith.muli %while3A_76, %mul3A_77 : i32
      %add3A_79 = arith.constant 0 : i32
      %add3A_80 = arith.addi %mul3A_78, %add3A_79 : i32
      %add3A_81 = arith.constant 1 : i32
      %add3A_82 = arith.addi %add3A_80, %add3A_81 : i32
      %lt3A = arith.cmpi slt, %add3A_82, %select_n3A : i32
      %ge3A = arith.constant 1 : i32
      %ge3A_83 = arith.cmpi sge, %add3A_80, %ge3A : i32
      %and3A_84 = arith.andi %lt3A, %ge3A_83 : i1
      %convert_element_type3A = arith.extui %and3A_84 : i1 to i32
      %cond3A = arith.constant 0 : i32
      %cond3A_85 = arith.cmpi ne, %convert_element_type3A, %cond3A : i32
      scf.if %cond3A_85 {
        %dma_wait3A_119 = arith.constant 0 : i32
        %dma_wait3A_120 = arith.constant 0 : i32
        %dma_wait3A_121 = tpu.memref_slice %arg12[%dma_wait3A_119, %dma_wait3A_120] : memref<10240x128xf32, #tpu.memory_space<vmem_shared>> -> memref<10240x128xf32, #tpu.memory_space<vmem_shared>>
        tpu.wait_indirect_dma semaphore(%arg16 : memref<!tpu.dma_semaphore, #tpu.memory_space<semaphore_mem>>) src(%arg11 : memref<128x128xf32, #tpu.memory_space<vmem>>) dst(%dma_wait3A_121 : memref<10240x128xf32, #tpu.memory_space<vmem_shared>>)
      } else {
      }
      %add3A_86 = arith.constant 1 : i32
      %add3A_87 = arith.addi %add3A_80, %add3A_86 : i32
      %lt3A_88 = arith.cmpi slt, %add3A_87, %select_n3A : i32
      %convert_element_type3A_89 = arith.extui %lt3A_88 : i1 to i32
      %cond3A_90 = arith.constant 0 : i32
      %cond3A_91 = arith.cmpi ne, %convert_element_type3A_89, %cond3A_90 : i32
      scf.if %cond3A_91 {
        %add3A_119 = arith.constant 1 : i32
        %add3A_120 = arith.addi %add3A_80, %add3A_119 : i32
        %mul3A_121 = arith.constant 128 : i32
        %mul3A_122 = arith.muli %add3A_120, %mul3A_121 : i32
        %add3A_123 = arith.addi %select_n3A_26, %mul3A_122 : i32
        "tpu.region"() ({
          %run_scoped3A = tpu.sem_alloc : memref<!tpu.dma_semaphore, #tpu.memory_space<semaphore_mem>>
          %dma_start3A_127 = tpu.memref_slice %arg3[%add3A_123] : memref<323584xi32, #tpu.memory_space<hbm>> -> memref<128xi32, #tpu.memory_space<hbm>>
          %dma_start3A_128 = tpu.memref_slice %arg3[%add3A_123] : memref<323584xi32, #tpu.memory_space<hbm>> -> memref<128xi32, #tpu.memory_space<hbm>>
          tpu.enqueue_dma source(%dma_start3A_128 : memref<128xi32, #tpu.memory_space<hbm>>) target(%arg7 : memref<128xi32, #tpu.memory_space<vmem>>) target_semaphore(%run_scoped3A : memref<!tpu.dma_semaphore, #tpu.memory_space<semaphore_mem>>)
          %dma_wait3A_129 = tpu.memref_slice %arg3[%add3A_123] : memref<323584xi32, #tpu.memory_space<hbm>> -> memref<128xi32, #tpu.memory_space<hbm>>
          %dma_wait3A_130 = tpu.memref_slice %arg3[%add3A_123] : memref<323584xi32, #tpu.memory_space<hbm>> -> memref<128xi32, #tpu.memory_space<hbm>>
          tpu.wait_dma2 semaphore(%run_scoped3A : memref<!tpu.dma_semaphore, #tpu.memory_space<semaphore_mem>>) src(%dma_wait3A_130 : memref<128xi32, #tpu.memory_space<hbm>>) dst(%arg7 : memref<128xi32, #tpu.memory_space<vmem>>)
          tpu.yield
        }) : () -> ()
        "tpu.region"() ({
          %run_scoped3A = tpu.sem_alloc : memref<!tpu.dma_semaphore, #tpu.memory_space<semaphore_mem>>
          %dma_start3A_127 = tpu.memref_slice %arg4[%add3A_123] : memref<323584xi32, #tpu.memory_space<hbm>> -> memref<128xi32, #tpu.memory_space<hbm>>
          %dma_start3A_128 = tpu.memref_slice %arg4[%add3A_123] : memref<323584xi32, #tpu.memory_space<hbm>> -> memref<128xi32, #tpu.memory_space<hbm>>
          tpu.enqueue_dma source(%dma_start3A_128 : memref<128xi32, #tpu.memory_space<hbm>>) target(%arg9 : memref<128xi32, #tpu.memory_space<vmem>>) target_semaphore(%run_scoped3A : memref<!tpu.dma_semaphore, #tpu.memory_space<semaphore_mem>>)
          %dma_wait3A_129 = tpu.memref_slice %arg4[%add3A_123] : memref<323584xi32, #tpu.memory_space<hbm>> -> memref<128xi32, #tpu.memory_space<hbm>>
          %dma_wait3A_130 = tpu.memref_slice %arg4[%add3A_123] : memref<323584xi32, #tpu.memory_space<hbm>> -> memref<128xi32, #tpu.memory_space<hbm>>
          tpu.wait_dma2 semaphore(%run_scoped3A : memref<!tpu.dma_semaphore, #tpu.memory_space<semaphore_mem>>) src(%dma_wait3A_130 : memref<128xi32, #tpu.memory_space<hbm>>) dst(%arg9 : memref<128xi32, #tpu.memory_space<vmem>>)
          tpu.yield
        }) : () -> ()
        %dma_start3A_124 = arith.constant 0 : i32
        %dma_start3A_125 = arith.constant 0 : i32
        %dma_start3A_126 = tpu.memref_slice %arg2[%dma_start3A_124, %dma_start3A_125] : memref<10240x128xf32, #tpu.memory_space<hbm>> -> memref<10240x128xf32, #tpu.memory_space<hbm>>
        tpu.enqueue_indirect_dma source(%dma_start3A_126 : memref<10240x128xf32, #tpu.memory_space<hbm>>) target(%arg11 : memref<128x128xf32, #tpu.memory_space<vmem>>) offsets(%arg7 : memref<128xi32, #tpu.memory_space<vmem>>) semaphore(%arg14 : memref<!tpu.dma_semaphore, #tpu.memory_space<semaphore_mem>>)
      } else {
      }
      %lt3A_92 = arith.cmpi slt, %add3A_80, %select_n3A : i32
      %convert_element_type3A_93 = arith.extui %lt3A_92 : i1 to i32
      %cond3A_94 = arith.constant 0 : i32
      %cond3A_95 = arith.cmpi ne, %convert_element_type3A_93, %cond3A_94 : i32
      scf.if %cond3A_95 {
        %dma_wait3A_119 = arith.constant 0 : i32
        %dma_wait3A_120 = arith.constant 0 : i32
        %dma_wait3A_121 = tpu.memref_slice %arg2[%dma_wait3A_119, %dma_wait3A_120] : memref<10240x128xf32, #tpu.memory_space<hbm>> -> memref<10240x128xf32, #tpu.memory_space<hbm>>
        tpu.wait_indirect_dma semaphore(%arg13 : memref<!tpu.dma_semaphore, #tpu.memory_space<semaphore_mem>>) src(%dma_wait3A_121 : memref<10240x128xf32, #tpu.memory_space<hbm>>) dst(%arg10 : memref<128x128xf32, #tpu.memory_space<vmem>>)
        %dma_start3A_122 = arith.constant 0 : i32
        %dma_start3A_123 = arith.constant 0 : i32
        %dma_start3A_124 = tpu.memref_slice %arg12[%dma_start3A_122, %dma_start3A_123] : memref<10240x128xf32, #tpu.memory_space<vmem_shared>> -> memref<10240x128xf32, #tpu.memory_space<vmem_shared>>
        tpu.enqueue_indirect_dma source(%arg10 : memref<128x128xf32, #tpu.memory_space<vmem>>) target(%dma_start3A_124 : memref<10240x128xf32, #tpu.memory_space<vmem_shared>>) offsets(%arg8 : memref<128xi32, #tpu.memory_space<vmem>>) semaphore(%arg15 : memref<!tpu.dma_semaphore, #tpu.memory_space<semaphore_mem>>) {add = true}
      } else {
      }
      %mul3A_96 = arith.constant 2 : i32
      %mul3A_97 = arith.muli %while3A_76, %mul3A_96 : i32
      %add3A_98 = arith.constant 1 : i32
      %add3A_99 = arith.addi %mul3A_97, %add3A_98 : i32
      %add3A_100 = arith.constant 1 : i32
      %add3A_101 = arith.addi %add3A_99, %add3A_100 : i32
      %lt3A_102 = arith.cmpi slt, %add3A_101, %select_n3A : i32
      %ge3A_103 = arith.constant 1 : i32
      %ge3A_104 = arith.cmpi sge, %add3A_99, %ge3A_103 : i32
      %and3A_105 = arith.andi %lt3A_102, %ge3A_104 : i1
      %convert_element_type3A_106 = arith.extui %and3A_105 : i1 to i32
      %cond3A_107 = arith.constant 0 : i32
      %cond3A_108 = arith.cmpi ne, %convert_element_type3A_106, %cond3A_107 : i32
      scf.if %cond3A_108 {
        %dma_wait3A_119 = arith.constant 0 : i32
        %dma_wait3A_120 = arith.constant 0 : i32
        %dma_wait3A_121 = tpu.memref_slice %arg12[%dma_wait3A_119, %dma_wait3A_120] : memref<10240x128xf32, #tpu.memory_space<vmem_shared>> -> memref<10240x128xf32, #tpu.memory_space<vmem_shared>>
        tpu.wait_indirect_dma semaphore(%arg15 : memref<!tpu.dma_semaphore, #tpu.memory_space<semaphore_mem>>) src(%arg10 : memref<128x128xf32, #tpu.memory_space<vmem>>) dst(%dma_wait3A_121 : memref<10240x128xf32, #tpu.memory_space<vmem_shared>>)
      } else {
      }
      %add3A_109 = arith.constant 1 : i32
      %add3A_110 = arith.addi %add3A_99, %add3A_109 : i32
      %lt3A_111 = arith.cmpi slt, %add3A_110, %select_n3A : i32
      %convert_element_type3A_112 = arith.extui %lt3A_111 : i1 to i32
      %cond3A_113 = arith.constant 0 : i32
      %cond3A_114 = arith.cmpi ne, %convert_element_type3A_112, %cond3A_113 : i32
      scf.if %cond3A_114 {
        %add3A_119 = arith.constant 1 : i32
        %add3A_120 = arith.addi %add3A_99, %add3A_119 : i32
        %mul3A_121 = arith.constant 128 : i32
        %mul3A_122 = arith.muli %add3A_120, %mul3A_121 : i32
        %add3A_123 = arith.addi %select_n3A_26, %mul3A_122 : i32
        "tpu.region"() ({
          %run_scoped3A = tpu.sem_alloc : memref<!tpu.dma_semaphore, #tpu.memory_space<semaphore_mem>>
          %dma_start3A_127 = tpu.memref_slice %arg3[%add3A_123] : memref<323584xi32, #tpu.memory_space<hbm>> -> memref<128xi32, #tpu.memory_space<hbm>>
          %dma_start3A_128 = tpu.memref_slice %arg3[%add3A_123] : memref<323584xi32, #tpu.memory_space<hbm>> -> memref<128xi32, #tpu.memory_space<hbm>>
          tpu.enqueue_dma source(%dma_start3A_128 : memref<128xi32, #tpu.memory_space<hbm>>) target(%arg6 : memref<128xi32, #tpu.memory_space<vmem>>) target_semaphore(%run_scoped3A : memref<!tpu.dma_semaphore, #tpu.memory_space<semaphore_mem>>)
          %dma_wait3A_129 = tpu.memref_slice %arg3[%add3A_123] : memref<323584xi32, #tpu.memory_space<hbm>> -> memref<128xi32, #tpu.memory_space<hbm>>
          %dma_wait3A_130 = tpu.memref_slice %arg3[%add3A_123] : memref<323584xi32, #tpu.memory_space<hbm>> -> memref<128xi32, #tpu.memory_space<hbm>>
          tpu.wait_dma2 semaphore(%run_scoped3A : memref<!tpu.dma_semaphore, #tpu.memory_space<semaphore_mem>>) src(%dma_wait3A_130 : memref<128xi32, #tpu.memory_space<hbm>>) dst(%arg6 : memref<128xi32, #tpu.memory_space<vmem>>)
          tpu.yield
        }) : () -> ()
        "tpu.region"() ({
          %run_scoped3A = tpu.sem_alloc : memref<!tpu.dma_semaphore, #tpu.memory_space<semaphore_mem>>
          %dma_start3A_127 = tpu.memref_slice %arg4[%add3A_123] : memref<323584xi32, #tpu.memory_space<hbm>> -> memref<128xi32, #tpu.memory_space<hbm>>
          %dma_start3A_128 = tpu.memref_slice %arg4[%add3A_123] : memref<323584xi32, #tpu.memory_space<hbm>> -> memref<128xi32, #tpu.memory_space<hbm>>
          tpu.enqueue_dma source(%dma_start3A_128 : memref<128xi32, #tpu.memory_space<hbm>>) target(%arg8 : memref<128xi32, #tpu.memory_space<vmem>>) target_semaphore(%run_scoped3A : memref<!tpu.dma_semaphore, #tpu.memory_space<semaphore_mem>>)
          %dma_wait3A_129 = tpu.memref_slice %arg4[%add3A_123] : memref<323584xi32, #tpu.memory_space<hbm>> -> memref<128xi32, #tpu.memory_space<hbm>>
          %dma_wait3A_130 = tpu.memref_slice %arg4[%add3A_123] : memref<323584xi32, #tpu.memory_space<hbm>> -> memref<128xi32, #tpu.memory_space<hbm>>
          tpu.wait_dma2 semaphore(%run_scoped3A : memref<!tpu.dma_semaphore, #tpu.memory_space<semaphore_mem>>) src(%dma_wait3A_130 : memref<128xi32, #tpu.memory_space<hbm>>) dst(%arg8 : memref<128xi32, #tpu.memory_space<vmem>>)
          tpu.yield
        }) : () -> ()
        %dma_start3A_124 = arith.constant 0 : i32
        %dma_start3A_125 = arith.constant 0 : i32
        %dma_start3A_126 = tpu.memref_slice %arg2[%dma_start3A_124, %dma_start3A_125] : memref<10240x128xf32, #tpu.memory_space<hbm>> -> memref<10240x128xf32, #tpu.memory_space<hbm>>
        tpu.enqueue_indirect_dma source(%dma_start3A_126 : memref<10240x128xf32, #tpu.memory_space<hbm>>) target(%arg10 : memref<128x128xf32, #tpu.memory_space<vmem>>) offsets(%arg6 : memref<128xi32, #tpu.memory_space<vmem>>) semaphore(%arg13 : memref<!tpu.dma_semaphore, #tpu.memory_space<semaphore_mem>>)
      } else {
      }
      %lt3A_115 = arith.cmpi slt, %add3A_99, %select_n3A : i32
      %convert_element_type3A_116 = arith.extui %lt3A_115 : i1 to i32
      %cond3A_117 = arith.constant 0 : i32
      %cond3A_118 = arith.cmpi ne, %convert_element_type3A_116, %cond3A_117 : i32
      scf.if %cond3A_118 {
        %dma_wait3A_119 = arith.constant 0 : i32
        %dma_wait3A_120 = arith.constant 0 : i32
        %dma_wait3A_121 = tpu.memref_slice %arg2[%dma_wait3A_119, %dma_wait3A_120] : memref<10240x128xf32, #tpu.memory_space<hbm>> -> memref<10240x128xf32, #tpu.memory_space<hbm>>
        tpu.wait_indirect_dma semaphore(%arg14 : memref<!tpu.dma_semaphore, #tpu.memory_space<semaphore_mem>>) src(%dma_wait3A_121 : memref<10240x128xf32, #tpu.memory_space<hbm>>) dst(%arg11 : memref<128x128xf32, #tpu.memory_space<vmem>>)
        %dma_start3A_122 = arith.constant 0 : i32
        %dma_start3A_123 = arith.constant 0 : i32
        %dma_start3A_124 = tpu.memref_slice %arg12[%dma_start3A_122, %dma_start3A_123] : memref<10240x128xf32, #tpu.memory_space<vmem_shared>> -> memref<10240x128xf32, #tpu.memory_space<vmem_shared>>
        tpu.enqueue_indirect_dma source(%arg11 : memref<128x128xf32, #tpu.memory_space<vmem>>) target(%dma_start3A_124 : memref<10240x128xf32, #tpu.memory_space<vmem_shared>>) offsets(%arg9 : memref<128xi32, #tpu.memory_space<vmem>>) semaphore(%arg16 : memref<!tpu.dma_semaphore, #tpu.memory_space<semaphore_mem>>) {add = true}
      } else {
      }
    }
    %dma_wait3A = arith.constant 0 : i32
    %dma_wait3A_60 = arith.constant 0 : i32
    %dma_wait3A_61 = tpu.memref_slice %arg12[%dma_wait3A, %dma_wait3A_60] : memref<10240x128xf32, #tpu.memory_space<vmem_shared>> -> memref<10240x128xf32, #tpu.memory_space<vmem_shared>>
    tpu.wait_indirect_dma semaphore(%arg15 : memref<!tpu.dma_semaphore, #tpu.memory_space<semaphore_mem>>) src(%arg10 : memref<128x128xf32, #tpu.memory_space<vmem>>) dst(%dma_wait3A_61 : memref<10240x128xf32, #tpu.memory_space<vmem_shared>>)
    %dma_wait3A_62 = arith.constant 0 : i32
    %dma_wait3A_63 = arith.constant 0 : i32
    %dma_wait3A_64 = tpu.memref_slice %arg12[%dma_wait3A_62, %dma_wait3A_63] : memref<10240x128xf32, #tpu.memory_space<vmem_shared>> -> memref<10240x128xf32, #tpu.memory_space<vmem_shared>>
    tpu.wait_indirect_dma semaphore(%arg16 : memref<!tpu.dma_semaphore, #tpu.memory_space<semaphore_mem>>) src(%arg11 : memref<128x128xf32, #tpu.memory_space<vmem>>) dst(%dma_wait3A_64 : memref<10240x128xf32, #tpu.memory_space<vmem_shared>>)
    %barrier3A_65 = arith.constant 0 : index
    tpu.barrier barrier_id(%barrier3A_65)
    %add3A_66 = arith.constant 0 : i32
    %add3A_67 = arith.addi %mul3A_6, %add3A_66 : i32
    "tpu.region"() ({
      %run_scoped3A = tpu.sem_alloc : memref<!tpu.dma_semaphore, #tpu.memory_space<semaphore_mem>>
      %dma_start3A_76 = arith.constant 0 : i32
      %dma_start3A_77 = tpu.memref_slice %arg5[%arg0, %add3A_67, %dma_start3A_76] : memref<2x10240x128xf32, #tpu.memory_space<hbm>> -> memref<1x128x128xf32, #tpu.memory_space<hbm>>
      %dma_start3A_78 = tpu.memref_squeeze %dma_start3A_77 : memref<1x128x128xf32, #tpu.memory_space<hbm>> -> memref<128x128xf32, #tpu.memory_space<hbm>>
      %dma_start3A_79 = arith.constant 0 : i32
      %dma_start3A_80 = tpu.memref_slice %arg12[%add3A_67, %dma_start3A_79] : memref<10240x128xf32, #tpu.memory_space<vmem_shared>> -> memref<128x128xf32, #tpu.memory_space<vmem_shared>>
      tpu.enqueue_dma source(%dma_start3A_80 : memref<128x128xf32, #tpu.memory_space<vmem_shared>>) target(%dma_start3A_78 : memref<128x128xf32, #tpu.memory_space<hbm>>) target_semaphore(%run_scoped3A : memref<!tpu.dma_semaphore, #tpu.memory_space<semaphore_mem>>)
      %dma_wait3A_81 = arith.constant 0 : i32
      %dma_wait3A_82 = tpu.memref_slice %arg5[%arg0, %add3A_67, %dma_wait3A_81] : memref<2x10240x128xf32, #tpu.memory_space<hbm>> -> memref<1x128x128xf32, #tpu.memory_space<hbm>>
      %dma_wait3A_83 = tpu.memref_squeeze %dma_wait3A_82 : memref<1x128x128xf32, #tpu.memory_space<hbm>> -> memref<128x128xf32, #tpu.memory_space<hbm>>
      %dma_wait3A_84 = arith.constant 0 : i32
      %dma_wait3A_85 = tpu.memref_slice %arg12[%add3A_67, %dma_wait3A_84] : memref<10240x128xf32, #tpu.memory_space<vmem_shared>> -> memref<128x128xf32, #tpu.memory_space<vmem_shared>>
      tpu.wait_dma2 semaphore(%run_scoped3A : memref<!tpu.dma_semaphore, #tpu.memory_space<semaphore_mem>>) src(%dma_wait3A_85 : memref<128x128xf32, #tpu.memory_space<vmem_shared>>) dst(%dma_wait3A_83 : memref<128x128xf32, #tpu.memory_space<hbm>>)
      tpu.yield
    }) : () -> ()
    %add3A_68 = arith.constant 128 : i32
    %add3A_69 = arith.addi %mul3A_6, %add3A_68 : i32
    "tpu.region"() ({
      %run_scoped3A = tpu.sem_alloc : memref<!tpu.dma_semaphore, #tpu.memory_space<semaphore_mem>>
      %dma_start3A_76 = arith.constant 0 : i32
      %dma_start3A_77 = tpu.memref_slice %arg5[%arg0, %add3A_69, %dma_start3A_76] : memref<2x10240x128xf32, #tpu.memory_space<hbm>> -> memref<1x128x128xf32, #tpu.memory_space<hbm>>
      %dma_start3A_78 = tpu.memref_squeeze %dma_start3A_77 : memref<1x128x128xf32, #tpu.memory_space<hbm>> -> memref<128x128xf32, #tpu.memory_space<hbm>>
      %dma_start3A_79 = arith.constant 0 : i32
      %dma_start3A_80 = tpu.memref_slice %arg12[%add3A_69, %dma_start3A_79] : memref<10240x128xf32, #tpu.memory_space<vmem_shared>> -> memref<128x128xf32, #tpu.memory_space<vmem_shared>>
      tpu.enqueue_dma source(%dma_start3A_80 : memref<128x128xf32, #tpu.memory_space<vmem_shared>>) target(%dma_start3A_78 : memref<128x128xf32, #tpu.memory_space<hbm>>) target_semaphore(%run_scoped3A : memref<!tpu.dma_semaphore, #tpu.memory_space<semaphore_mem>>)
      %dma_wait3A_81 = arith.constant 0 : i32
      %dma_wait3A_82 = tpu.memref_slice %arg5[%arg0, %add3A_69, %dma_wait3A_81] : memref<2x10240x128xf32, #tpu.memory_space<hbm>> -> memref<1x128x128xf32, #tpu.memory_space<hbm>>
      %dma_wait3A_83 = tpu.memref_squeeze %dma_wait3A_82 : memref<1x128x128xf32, #tpu.memory_space<hbm>> -> memref<128x128xf32, #tpu.memory_space<hbm>>
      %dma_wait3A_84 = arith.constant 0 : i32
      %dma_wait3A_85 = tpu.memref_slice %arg12[%add3A_69, %dma_wait3A_84] : memref<10240x128xf32, #tpu.memory_space<vmem_shared>> -> memref<128x128xf32, #tpu.memory_space<vmem_shared>>
      tpu.wait_dma2 semaphore(%run_scoped3A : memref<!tpu.dma_semaphore, #tpu.memory_space<semaphore_mem>>) src(%dma_wait3A_85 : memref<128x128xf32, #tpu.memory_space<vmem_shared>>) dst(%dma_wait3A_83 : memref<128x128xf32, #tpu.memory_space<hbm>>)
      tpu.yield
    }) : () -> ()
    %add3A_70 = arith.constant 256 : i32
    %add3A_71 = arith.addi %mul3A_6, %add3A_70 : i32
    "tpu.region"() ({
      %run_scoped3A = tpu.sem_alloc : memref<!tpu.dma_semaphore, #tpu.memory_space<semaphore_mem>>
      %dma_start3A_76 = arith.constant 0 : i32
      %dma_start3A_77 = tpu.memref_slice %arg5[%arg0, %add3A_71, %dma_start3A_76] : memref<2x10240x128xf32, #tpu.memory_space<hbm>> -> memref<1x128x128xf32, #tpu.memory_space<hbm>>
      %dma_start3A_78 = tpu.memref_squeeze %dma_start3A_77 : memref<1x128x128xf32, #tpu.memory_space<hbm>> -> memref<128x128xf32, #tpu.memory_space<hbm>>
      %dma_start3A_79 = arith.constant 0 : i32
      %dma_start3A_80 = tpu.memref_slice %arg12[%add3A_71, %dma_start3A_79] : memref<10240x128xf32, #tpu.memory_space<vmem_shared>> -> memref<128x128xf32, #tpu.memory_space<vmem_shared>>
      tpu.enqueue_dma source(%dma_start3A_80 : memref<128x128xf32, #tpu.memory_space<vmem_shared>>) target(%dma_start3A_78 : memref<128x128xf32, #tpu.memory_space<hbm>>) target_semaphore(%run_scoped3A : memref<!tpu.dma_semaphore, #tpu.memory_space<semaphore_mem>>)
      %dma_wait3A_81 = arith.constant 0 : i32
      %dma_wait3A_82 = tpu.memref_slice %arg5[%arg0, %add3A_71, %dma_wait3A_81] : memref<2x10240x128xf32, #tpu.memory_space<hbm>> -> memref<1x128x128xf32, #tpu.memory_space<hbm>>
      %dma_wait3A_83 = tpu.memref_squeeze %dma_wait3A_82 : memref<1x128x128xf32, #tpu.memory_space<hbm>> -> memref<128x128xf32, #tpu.memory_space<hbm>>
      %dma_wait3A_84 = arith.constant 0 : i32
      %dma_wait3A_85 = tpu.memref_slice %arg12[%add3A_71, %dma_wait3A_84] : memref<10240x128xf32, #tpu.memory_space<vmem_shared>> -> memref<128x128xf32, #tpu.memory_space<vmem_shared>>
      tpu.wait_dma2 semaphore(%run_scoped3A : memref<!tpu.dma_semaphore, #tpu.memory_space<semaphore_mem>>) src(%dma_wait3A_85 : memref<128x128xf32, #tpu.memory_space<vmem_shared>>) dst(%dma_wait3A_83 : memref<128x128xf32, #tpu.memory_space<hbm>>)
      tpu.yield
    }) : () -> ()
    %add3A_72 = arith.constant 384 : i32
    %add3A_73 = arith.addi %mul3A_6, %add3A_72 : i32
    "tpu.region"() ({
      %run_scoped3A = tpu.sem_alloc : memref<!tpu.dma_semaphore, #tpu.memory_space<semaphore_mem>>
      %dma_start3A_76 = arith.constant 0 : i32
      %dma_start3A_77 = tpu.memref_slice %arg5[%arg0, %add3A_73, %dma_start3A_76] : memref<2x10240x128xf32, #tpu.memory_space<hbm>> -> memref<1x128x128xf32, #tpu.memory_space<hbm>>
      %dma_start3A_78 = tpu.memref_squeeze %dma_start3A_77 : memref<1x128x128xf32, #tpu.memory_space<hbm>> -> memref<128x128xf32, #tpu.memory_space<hbm>>
      %dma_start3A_79 = arith.constant 0 : i32
      %dma_start3A_80 = tpu.memref_slice %arg12[%add3A_73, %dma_start3A_79] : memref<10240x128xf32, #tpu.memory_space<vmem_shared>> -> memref<128x128xf32, #tpu.memory_space<vmem_shared>>
      tpu.enqueue_dma source(%dma_start3A_80 : memref<128x128xf32, #tpu.memory_space<vmem_shared>>) target(%dma_start3A_78 : memref<128x128xf32, #tpu.memory_space<hbm>>) target_semaphore(%run_scoped3A : memref<!tpu.dma_semaphore, #tpu.memory_space<semaphore_mem>>)
      %dma_wait3A_81 = arith.constant 0 : i32
      %dma_wait3A_82 = tpu.memref_slice %arg5[%arg0, %add3A_73, %dma_wait3A_81] : memref<2x10240x128xf32, #tpu.memory_space<hbm>> -> memref<1x128x128xf32, #tpu.memory_space<hbm>>
      %dma_wait3A_83 = tpu.memref_squeeze %dma_wait3A_82 : memref<1x128x128xf32, #tpu.memory_space<hbm>> -> memref<128x128xf32, #tpu.memory_space<hbm>>
      %dma_wait3A_84 = arith.constant 0 : i32
      %dma_wait3A_85 = tpu.memref_slice %arg12[%add3A_73, %dma_wait3A_84] : memref<10240x128xf32, #tpu.memory_space<vmem_shared>> -> memref<128x128xf32, #tpu.memory_space<vmem_shared>>
      tpu.wait_dma2 semaphore(%run_scoped3A : memref<!tpu.dma_semaphore, #tpu.memory_space<semaphore_mem>>) src(%dma_wait3A_85 : memref<128x128xf32, #tpu.memory_space<vmem_shared>>) dst(%dma_wait3A_83 : memref<128x128xf32, #tpu.memory_space<hbm>>)
      tpu.yield
    }) : () -> ()
    %add3A_74 = arith.constant 512 : i32
    %add3A_75 = arith.addi %mul3A_6, %add3A_74 : i32
    "tpu.region"() ({
      %run_scoped3A = tpu.sem_alloc : memref<!tpu.dma_semaphore, #tpu.memory_space<semaphore_mem>>
      %dma_start3A_76 = arith.constant 0 : i32
      %dma_start3A_77 = tpu.memref_slice %arg5[%arg0, %add3A_75, %dma_start3A_76] : memref<2x10240x128xf32, #tpu.memory_space<hbm>> -> memref<1x128x128xf32, #tpu.memory_space<hbm>>
      %dma_start3A_78 = tpu.memref_squeeze %dma_start3A_77 : memref<1x128x128xf32, #tpu.memory_space<hbm>> -> memref<128x128xf32, #tpu.memory_space<hbm>>
      %dma_start3A_79 = arith.constant 0 : i32
      %dma_start3A_80 = tpu.memref_slice %arg12[%add3A_75, %dma_start3A_79] : memref<10240x128xf32, #tpu.memory_space<vmem_shared>> -> memref<128x128xf32, #tpu.memory_space<vmem_shared>>
      tpu.enqueue_dma source(%dma_start3A_80 : memref<128x128xf32, #tpu.memory_space<vmem_shared>>) target(%dma_start3A_78 : memref<128x128xf32, #tpu.memory_space<hbm>>) target_semaphore(%run_scoped3A : memref<!tpu.dma_semaphore, #tpu.memory_space<semaphore_mem>>)
      %dma_wait3A_81 = arith.constant 0 : i32
      %dma_wait3A_82 = tpu.memref_slice %arg5[%arg0, %add3A_75, %dma_wait3A_81] : memref<2x10240x128xf32, #tpu.memory_space<hbm>> -> memref<1x128x128xf32, #tpu.memory_space<hbm>>
      %dma_wait3A_83 = tpu.memref_squeeze %dma_wait3A_82 : memref<1x128x128xf32, #tpu.memory_space<hbm>> -> memref<128x128xf32, #tpu.memory_space<hbm>>
      %dma_wait3A_84 = arith.constant 0 : i32
      %dma_wait3A_85 = tpu.memref_slice %arg12[%add3A_75, %dma_wait3A_84] : memref<10240x128xf32, #tpu.memory_space<vmem_shared>> -> memref<128x128xf32, #tpu.memory_space<vmem_shared>>
      tpu.wait_dma2 semaphore(%run_scoped3A : memref<!tpu.dma_semaphore, #tpu.memory_space<semaphore_mem>>) src(%dma_wait3A_85 : memref<128x128xf32, #tpu.memory_space<vmem_shared>>) dst(%dma_wait3A_83 : memref<128x128xf32, #tpu.memory_space<hbm>>)
      tpu.yield
    }) : () -> ()
    return
  }
}

#map = affine_map<(d0, d1) -> (0)>
module attributes {stable_mosaic.version = 14 : i64} {
  func.func @body(%arg0: i32, %arg1: i32, %arg2: memref<10240xf32, #tpu.memory_space<hbm>>, %arg3: memref<10240xf32, #tpu.memory_space<hbm>>, %arg4: memref<323584xi32, #tpu.memory_space<hbm>>, %arg5: memref<323584xi32, #tpu.memory_space<hbm>>, %arg6: memref<327680xf32, #tpu.memory_space<hbm>>, %arg7: memref<327680xf32, #tpu.memory_space<hbm>>, %arg8: memref<327680xf32, #tpu.memory_space<hbm>>, %arg9: memref<10240xf32, #tpu.memory_space<vmem>>, %arg10: memref<10240xf32, #tpu.memory_space<vmem>>, %arg11: memref<10112xi32, #tpu.memory_space<vmem>>, %arg12: memref<10112xi32, #tpu.memory_space<vmem>>, %arg13: memref<10240xf32, #tpu.memory_space<vmem>>, %arg14: memref<10240xf32, #tpu.memory_space<vmem>>, %arg15: memref<10240xf32, #tpu.memory_space<vmem>>) attributes {dimension_semantics = [#tpu.dimension_semantics<core_parallel>, #tpu.dimension_semantics<subcore_parallel>], iteration_bounds = array<i64: 2, 16>, scalar_prefetch = 0 : i64, scratch_operands = 7 : i64, tpu.core_type = #tpu.core_type<sc_vector_subcore>, window_params = [{transform_indices = #map}, {transform_indices = #map}, {transform_indices = #map}, {transform_indices = #map}, {transform_indices = #map}, {transform_indices = #map}, {transform_indices = #map}]} {
    %mul3A = arith.constant 2 : i32
    %mul3A_0 = arith.muli %arg1, %mul3A : i32
    %add3A = arith.addi %mul3A_0, %arg0 : i32
    %broadcast_in_dim3A = arith.constant 0.000000e+00 : f32
    %broadcast_in_dim3A_1 = vector.broadcast %broadcast_in_dim3A : f32 to vector<16xf32>
    %broadcast_in_dim3A_2 = arith.constant 1.000000e+00 : f32
    %broadcast_in_dim3A_3 = vector.broadcast %broadcast_in_dim3A_2 : f32 to vector<16xf32>
    "tpu.region"() ({
      %run_scoped3A = tpu.sem_alloc : memref<!tpu.dma_semaphore, #tpu.memory_space<semaphore_mem>>
      tpu.enqueue_dma source(%arg2 : memref<10240xf32, #tpu.memory_space<hbm>>) target(%arg9 : memref<10240xf32, #tpu.memory_space<vmem>>) target_semaphore(%run_scoped3A : memref<!tpu.dma_semaphore, #tpu.memory_space<semaphore_mem>>)
      tpu.wait_dma2 semaphore(%run_scoped3A : memref<!tpu.dma_semaphore, #tpu.memory_space<semaphore_mem>>) src(%arg2 : memref<10240xf32, #tpu.memory_space<hbm>>) dst(%arg9 : memref<10240xf32, #tpu.memory_space<vmem>>)
      tpu.yield
    }) : () -> ()
    "tpu.region"() ({
      %run_scoped3A = tpu.sem_alloc : memref<!tpu.dma_semaphore, #tpu.memory_space<semaphore_mem>>
      tpu.enqueue_dma source(%arg3 : memref<10240xf32, #tpu.memory_space<hbm>>) target(%arg10 : memref<10240xf32, #tpu.memory_space<vmem>>) target_semaphore(%run_scoped3A : memref<!tpu.dma_semaphore, #tpu.memory_space<semaphore_mem>>)
      tpu.wait_dma2 semaphore(%run_scoped3A : memref<!tpu.dma_semaphore, #tpu.memory_space<semaphore_mem>>) src(%arg3 : memref<10240xf32, #tpu.memory_space<hbm>>) dst(%arg10 : memref<10240xf32, #tpu.memory_space<vmem>>)
      tpu.yield
    }) : () -> ()
    %eq3A = arith.constant 0 : i32
    %eq3A_4 = arith.cmpi eq, %arg0, %eq3A : i32
    %convert_element_type3A = arith.extui %eq3A_4 : i1 to i32
    %cond3A = arith.constant 0 : i32
    %cond3A_5 = arith.cmpi ne, %convert_element_type3A, %cond3A : i32
    scf.if %cond3A_5 {
      %mul3A_30 = arith.constant 10112 : i32
      %mul3A_31 = arith.muli %arg1, %mul3A_30 : i32
      "tpu.region"() ({
        %run_scoped3A = tpu.sem_alloc : memref<!tpu.dma_semaphore, #tpu.memory_space<semaphore_mem>>
        %dma_start3A = arith.constant 0 : i32
        %dma_start3A_34 = tpu.memref_slice %arg11[%dma_start3A] : memref<10112xi32, #tpu.memory_space<vmem>> -> memref<10112xi32, #tpu.memory_space<vmem>>
        %dma_start3A_35 = tpu.memref_slice %arg4[%mul3A_31] : memref<323584xi32, #tpu.memory_space<hbm>> -> memref<10112xi32, #tpu.memory_space<hbm>>
        %dma_start3A_36 = arith.constant 0 : i32
        %dma_start3A_37 = tpu.memref_slice %arg11[%dma_start3A_36] : memref<10112xi32, #tpu.memory_space<vmem>> -> memref<10112xi32, #tpu.memory_space<vmem>>
        %dma_start3A_38 = tpu.memref_slice %arg4[%mul3A_31] : memref<323584xi32, #tpu.memory_space<hbm>> -> memref<10112xi32, #tpu.memory_space<hbm>>
        tpu.enqueue_dma source(%dma_start3A_38 : memref<10112xi32, #tpu.memory_space<hbm>>) target(%dma_start3A_37 : memref<10112xi32, #tpu.memory_space<vmem>>) target_semaphore(%run_scoped3A : memref<!tpu.dma_semaphore, #tpu.memory_space<semaphore_mem>>)
        %dma_wait3A = arith.constant 0 : i32
        %dma_wait3A_39 = tpu.memref_slice %arg11[%dma_wait3A] : memref<10112xi32, #tpu.memory_space<vmem>> -> memref<10112xi32, #tpu.memory_space<vmem>>
        %dma_wait3A_40 = tpu.memref_slice %arg4[%mul3A_31] : memref<323584xi32, #tpu.memory_space<hbm>> -> memref<10112xi32, #tpu.memory_space<hbm>>
        %dma_wait3A_41 = arith.constant 0 : i32
        %dma_wait3A_42 = tpu.memref_slice %arg11[%dma_wait3A_41] : memref<10112xi32, #tpu.memory_space<vmem>> -> memref<10112xi32, #tpu.memory_space<vmem>>
        %dma_wait3A_43 = tpu.memref_slice %arg4[%mul3A_31] : memref<323584xi32, #tpu.memory_space<hbm>> -> memref<10112xi32, #tpu.memory_space<hbm>>
        tpu.wait_dma2 semaphore(%run_scoped3A : memref<!tpu.dma_semaphore, #tpu.memory_space<semaphore_mem>>) src(%dma_wait3A_43 : memref<10112xi32, #tpu.memory_space<hbm>>) dst(%dma_wait3A_42 : memref<10112xi32, #tpu.memory_space<vmem>>)
        tpu.yield
      }) : () -> ()
      %mul3A_32 = arith.constant 10112 : i32
      %mul3A_33 = arith.muli %arg1, %mul3A_32 : i32
      "tpu.region"() ({
        %run_scoped3A = tpu.sem_alloc : memref<!tpu.dma_semaphore, #tpu.memory_space<semaphore_mem>>
        %dma_start3A = arith.constant 0 : i32
        %dma_start3A_34 = tpu.memref_slice %arg12[%dma_start3A] : memref<10112xi32, #tpu.memory_space<vmem>> -> memref<10112xi32, #tpu.memory_space<vmem>>
        %dma_start3A_35 = tpu.memref_slice %arg5[%mul3A_33] : memref<323584xi32, #tpu.memory_space<hbm>> -> memref<10112xi32, #tpu.memory_space<hbm>>
        %dma_start3A_36 = arith.constant 0 : i32
        %dma_start3A_37 = tpu.memref_slice %arg12[%dma_start3A_36] : memref<10112xi32, #tpu.memory_space<vmem>> -> memref<10112xi32, #tpu.memory_space<vmem>>
        %dma_start3A_38 = tpu.memref_slice %arg5[%mul3A_33] : memref<323584xi32, #tpu.memory_space<hbm>> -> memref<10112xi32, #tpu.memory_space<hbm>>
        tpu.enqueue_dma source(%dma_start3A_38 : memref<10112xi32, #tpu.memory_space<hbm>>) target(%dma_start3A_37 : memref<10112xi32, #tpu.memory_space<vmem>>) target_semaphore(%run_scoped3A : memref<!tpu.dma_semaphore, #tpu.memory_space<semaphore_mem>>)
        %dma_wait3A = arith.constant 0 : i32
        %dma_wait3A_39 = tpu.memref_slice %arg12[%dma_wait3A] : memref<10112xi32, #tpu.memory_space<vmem>> -> memref<10112xi32, #tpu.memory_space<vmem>>
        %dma_wait3A_40 = tpu.memref_slice %arg5[%mul3A_33] : memref<323584xi32, #tpu.memory_space<hbm>> -> memref<10112xi32, #tpu.memory_space<hbm>>
        %dma_wait3A_41 = arith.constant 0 : i32
        %dma_wait3A_42 = tpu.memref_slice %arg12[%dma_wait3A_41] : memref<10112xi32, #tpu.memory_space<vmem>> -> memref<10112xi32, #tpu.memory_space<vmem>>
        %dma_wait3A_43 = tpu.memref_slice %arg5[%mul3A_33] : memref<323584xi32, #tpu.memory_space<hbm>> -> memref<10112xi32, #tpu.memory_space<hbm>>
        tpu.wait_dma2 semaphore(%run_scoped3A : memref<!tpu.dma_semaphore, #tpu.memory_space<semaphore_mem>>) src(%dma_wait3A_43 : memref<10112xi32, #tpu.memory_space<hbm>>) dst(%dma_wait3A_42 : memref<10112xi32, #tpu.memory_space<vmem>>)
        tpu.yield
      }) : () -> ()
    } else {
    }
    %eq3A_6 = arith.constant 1 : i32
    %eq3A_7 = arith.cmpi eq, %arg0, %eq3A_6 : i32
    %convert_element_type3A_8 = arith.extui %eq3A_7 : i1 to i32
    %cond3A_9 = arith.constant 0 : i32
    %cond3A_10 = arith.cmpi ne, %convert_element_type3A_8, %cond3A_9 : i32
    scf.if %cond3A_10 {
      %mul3A_30 = arith.constant 10112 : i32
      %mul3A_31 = arith.muli %arg1, %mul3A_30 : i32
      %add3A_32 = arith.constant 161792 : i32
      %add3A_33 = arith.addi %add3A_32, %mul3A_31 : i32
      "tpu.region"() ({
        %run_scoped3A = tpu.sem_alloc : memref<!tpu.dma_semaphore, #tpu.memory_space<semaphore_mem>>
        %dma_start3A = arith.constant 0 : i32
        %dma_start3A_38 = tpu.memref_slice %arg11[%dma_start3A] : memref<10112xi32, #tpu.memory_space<vmem>> -> memref<10112xi32, #tpu.memory_space<vmem>>
        %dma_start3A_39 = tpu.memref_slice %arg4[%add3A_33] : memref<323584xi32, #tpu.memory_space<hbm>> -> memref<10112xi32, #tpu.memory_space<hbm>>
        %dma_start3A_40 = arith.constant 0 : i32
        %dma_start3A_41 = tpu.memref_slice %arg11[%dma_start3A_40] : memref<10112xi32, #tpu.memory_space<vmem>> -> memref<10112xi32, #tpu.memory_space<vmem>>
        %dma_start3A_42 = tpu.memref_slice %arg4[%add3A_33] : memref<323584xi32, #tpu.memory_space<hbm>> -> memref<10112xi32, #tpu.memory_space<hbm>>
        tpu.enqueue_dma source(%dma_start3A_42 : memref<10112xi32, #tpu.memory_space<hbm>>) target(%dma_start3A_41 : memref<10112xi32, #tpu.memory_space<vmem>>) target_semaphore(%run_scoped3A : memref<!tpu.dma_semaphore, #tpu.memory_space<semaphore_mem>>)
        %dma_wait3A = arith.constant 0 : i32
        %dma_wait3A_43 = tpu.memref_slice %arg11[%dma_wait3A] : memref<10112xi32, #tpu.memory_space<vmem>> -> memref<10112xi32, #tpu.memory_space<vmem>>
        %dma_wait3A_44 = tpu.memref_slice %arg4[%add3A_33] : memref<323584xi32, #tpu.memory_space<hbm>> -> memref<10112xi32, #tpu.memory_space<hbm>>
        %dma_wait3A_45 = arith.constant 0 : i32
        %dma_wait3A_46 = tpu.memref_slice %arg11[%dma_wait3A_45] : memref<10112xi32, #tpu.memory_space<vmem>> -> memref<10112xi32, #tpu.memory_space<vmem>>
        %dma_wait3A_47 = tpu.memref_slice %arg4[%add3A_33] : memref<323584xi32, #tpu.memory_space<hbm>> -> memref<10112xi32, #tpu.memory_space<hbm>>
        tpu.wait_dma2 semaphore(%run_scoped3A : memref<!tpu.dma_semaphore, #tpu.memory_space<semaphore_mem>>) src(%dma_wait3A_47 : memref<10112xi32, #tpu.memory_space<hbm>>) dst(%dma_wait3A_46 : memref<10112xi32, #tpu.memory_space<vmem>>)
        tpu.yield
      }) : () -> ()
      %mul3A_34 = arith.constant 10112 : i32
      %mul3A_35 = arith.muli %arg1, %mul3A_34 : i32
      %add3A_36 = arith.constant 161792 : i32
      %add3A_37 = arith.addi %add3A_36, %mul3A_35 : i32
      "tpu.region"() ({
        %run_scoped3A = tpu.sem_alloc : memref<!tpu.dma_semaphore, #tpu.memory_space<semaphore_mem>>
        %dma_start3A = arith.constant 0 : i32
        %dma_start3A_38 = tpu.memref_slice %arg12[%dma_start3A] : memref<10112xi32, #tpu.memory_space<vmem>> -> memref<10112xi32, #tpu.memory_space<vmem>>
        %dma_start3A_39 = tpu.memref_slice %arg5[%add3A_37] : memref<323584xi32, #tpu.memory_space<hbm>> -> memref<10112xi32, #tpu.memory_space<hbm>>
        %dma_start3A_40 = arith.constant 0 : i32
        %dma_start3A_41 = tpu.memref_slice %arg12[%dma_start3A_40] : memref<10112xi32, #tpu.memory_space<vmem>> -> memref<10112xi32, #tpu.memory_space<vmem>>
        %dma_start3A_42 = tpu.memref_slice %arg5[%add3A_37] : memref<323584xi32, #tpu.memory_space<hbm>> -> memref<10112xi32, #tpu.memory_space<hbm>>
        tpu.enqueue_dma source(%dma_start3A_42 : memref<10112xi32, #tpu.memory_space<hbm>>) target(%dma_start3A_41 : memref<10112xi32, #tpu.memory_space<vmem>>) target_semaphore(%run_scoped3A : memref<!tpu.dma_semaphore, #tpu.memory_space<semaphore_mem>>)
        %dma_wait3A = arith.constant 0 : i32
        %dma_wait3A_43 = tpu.memref_slice %arg12[%dma_wait3A] : memref<10112xi32, #tpu.memory_space<vmem>> -> memref<10112xi32, #tpu.memory_space<vmem>>
        %dma_wait3A_44 = tpu.memref_slice %arg5[%add3A_37] : memref<323584xi32, #tpu.memory_space<hbm>> -> memref<10112xi32, #tpu.memory_space<hbm>>
        %dma_wait3A_45 = arith.constant 0 : i32
        %dma_wait3A_46 = tpu.memref_slice %arg12[%dma_wait3A_45] : memref<10112xi32, #tpu.memory_space<vmem>> -> memref<10112xi32, #tpu.memory_space<vmem>>
        %dma_wait3A_47 = tpu.memref_slice %arg5[%add3A_37] : memref<323584xi32, #tpu.memory_space<hbm>> -> memref<10112xi32, #tpu.memory_space<hbm>>
        tpu.wait_dma2 semaphore(%run_scoped3A : memref<!tpu.dma_semaphore, #tpu.memory_space<semaphore_mem>>) src(%dma_wait3A_47 : memref<10112xi32, #tpu.memory_space<hbm>>) dst(%dma_wait3A_46 : memref<10112xi32, #tpu.memory_space<vmem>>)
        tpu.yield
      }) : () -> ()
    } else {
    }
    %scan3A = arith.constant 0 : i32
    %scan3A_11 = arith.constant 0 : i32
    %scan3A_12 = arith.constant 640 : i32
    %scan3A_13 = arith.addi %scan3A_11, %scan3A_12 : i32
    %scan3A_14 = arith.constant 1 : i32
    scf.for %scan3A_30 = %scan3A_11 to %scan3A_13 step %scan3A_14  : i32 {
      %mul3A_31 = arith.constant 16 : i32
      %mul3A_32 = arith.muli %scan3A_30, %mul3A_31 : i32
      %swap3A = arith.index_cast %mul3A_32 : i32 to index
      %swap3A_33 = tpu.vector_load %arg13[%swap3A] {strides = array<i32>} : memref<10240xf32, #tpu.memory_space<vmem>>, vector<16xf32>,
      tpu.vector_store %arg13[%swap3A], %broadcast_in_dim3A_1 {strides = array<i32>} : memref<10240xf32, #tpu.memory_space<vmem>>, vector<16xf32>,
      %swap3A_34 = arith.index_cast %mul3A_32 : i32 to index
      %swap3A_35 = tpu.vector_load %arg14[%swap3A_34] {strides = array<i32>} : memref<10240xf32, #tpu.memory_space<vmem>>, vector<16xf32>,
      tpu.vector_store %arg14[%swap3A_34], %broadcast_in_dim3A_1 {strides = array<i32>} : memref<10240xf32, #tpu.memory_space<vmem>>, vector<16xf32>,
      %swap3A_36 = arith.index_cast %mul3A_32 : i32 to index
      %swap3A_37 = tpu.vector_load %arg15[%swap3A_36] {strides = array<i32>} : memref<10240xf32, #tpu.memory_space<vmem>>, vector<16xf32>,
      tpu.vector_store %arg15[%swap3A_36], %broadcast_in_dim3A_1 {strides = array<i32>} : memref<10240xf32, #tpu.memory_space<vmem>>, vector<16xf32>,
    }
    %scan3A_15 = arith.constant 640 : i32
    %eq3A_16 = arith.constant 0 : i32
    %eq3A_17 = arith.cmpi eq, %arg0, %eq3A_16 : i32
    %jit3A = arith.constant 632 : i32
    %jit3A_18 = arith.constant 632 : i32
    %select_n3A = arith.select %eq3A_17, %jit3A, %jit3A_18 : i32
    %while3A = arith.constant 0 : i32
    %while3A_19 = arith.constant 0 : i32
    %while3A_20 = arith.subi %select_n3A, %while3A_19 : i32
    %while3A_21 = arith.addi %while3A_19, %while3A_20 : i32
    %while3A_22 = arith.constant 1 : i32
    %while3A_23 = arith.divsi %while3A_20, %while3A_22 : i32
    %while3A_24 = arith.muli %while3A_23, %while3A_22 : i32
    %while3A_25 = arith.addi %while3A_19, %while3A_24 : i32
    %while3A_26 = arith.constant 1 : i32
    scf.for %while3A_30 = %while3A_19 to %while3A_25 step %while3A_26  : i32 {
      %mul3A_31 = arith.constant 16 : i32
      %mul3A_32 = arith.muli %while3A_30, %mul3A_31 : i32
      %get3A = arith.index_cast %mul3A_32 : i32 to index
      %get3A_33 = tpu.vector_load %arg11[%get3A] {strides = array<i32>} : memref<10112xi32, #tpu.memory_space<vmem>>, vector<16xi32>,
      %get3A_34 = arith.index_cast %mul3A_32 : i32 to index
      %get3A_35 = tpu.vector_load %arg12[%get3A_34] {strides = array<i32>} : memref<10112xi32, #tpu.memory_space<vmem>>, vector<16xi32>,
      %gather3A = tpu.vector_load_idx %arg9[%get3A_33] : memref<10240xf32, #tpu.memory_space<vmem>>[vector<16xi32>], vector<16xf32>,
      %gather3A_36 = tpu.vector_load_idx %arg10[%get3A_33] : memref<10240xf32, #tpu.memory_space<vmem>>[vector<16xi32>], vector<16xf32>,
      tpu.vector_store_idx %arg13[%get3A_35], %broadcast_in_dim3A_3 {add = true} : memref<10240xf32, #tpu.memory_space<vmem>>[vector<16xi32>], vector<16xf32>,
      tpu.vector_store_idx %arg14[%get3A_35], %gather3A {add = true} : memref<10240xf32, #tpu.memory_space<vmem>>[vector<16xi32>], vector<16xf32>,
      tpu.vector_store_idx %arg15[%get3A_35], %gather3A_36 {add = true} : memref<10240xf32, #tpu.memory_space<vmem>>[vector<16xi32>], vector<16xf32>,
    }
    %while3A_27 = arith.constant 1 : i32
    scf.for %while3A_30 = %while3A_25 to %while3A_21 step %while3A_27  : i32 {
      %mul3A_31 = arith.constant 16 : i32
      %mul3A_32 = arith.muli %while3A_30, %mul3A_31 : i32
      %get3A = arith.index_cast %mul3A_32 : i32 to index
      %get3A_33 = tpu.vector_load %arg11[%get3A] {strides = array<i32>} : memref<10112xi32, #tpu.memory_space<vmem>>, vector<16xi32>,
      %get3A_34 = arith.index_cast %mul3A_32 : i32 to index
      %get3A_35 = tpu.vector_load %arg12[%get3A_34] {strides = array<i32>} : memref<10112xi32, #tpu.memory_space<vmem>>, vector<16xi32>,
      %gather3A = tpu.vector_load_idx %arg9[%get3A_33] : memref<10240xf32, #tpu.memory_space<vmem>>[vector<16xi32>], vector<16xf32>,
      %gather3A_36 = tpu.vector_load_idx %arg10[%get3A_33] : memref<10240xf32, #tpu.memory_space<vmem>>[vector<16xi32>], vector<16xf32>,
      tpu.vector_store_idx %arg13[%get3A_35], %broadcast_in_dim3A_3 {add = true} : memref<10240xf32, #tpu.memory_space<vmem>>[vector<16xi32>], vector<16xf32>,
      tpu.vector_store_idx %arg14[%get3A_35], %gather3A {add = true} : memref<10240xf32, #tpu.memory_space<vmem>>[vector<16xi32>], vector<16xf32>,
      tpu.vector_store_idx %arg15[%get3A_35], %gather3A_36 {add = true} : memref<10240xf32, #tpu.memory_space<vmem>>[vector<16xi32>], vector<16xf32>,
    }
    %mul3A_28 = arith.constant 10240 : i32
    %mul3A_29 = arith.muli %add3A, %mul3A_28 : i32
    "tpu.region"() ({
      %run_scoped3A = tpu.sem_alloc : memref<!tpu.dma_semaphore, #tpu.memory_space<semaphore_mem>>
      %dma_start3A = tpu.memref_slice %arg6[%mul3A_29] : memref<327680xf32, #tpu.memory_space<hbm>> -> memref<10240xf32, #tpu.memory_space<hbm>>
      %dma_start3A_30 = tpu.memref_slice %arg6[%mul3A_29] : memref<327680xf32, #tpu.memory_space<hbm>> -> memref<10240xf32, #tpu.memory_space<hbm>>
      tpu.enqueue_dma source(%arg13 : memref<10240xf32, #tpu.memory_space<vmem>>) target(%dma_start3A_30 : memref<10240xf32, #tpu.memory_space<hbm>>) target_semaphore(%run_scoped3A : memref<!tpu.dma_semaphore, #tpu.memory_space<semaphore_mem>>)
      %dma_wait3A = tpu.memref_slice %arg6[%mul3A_29] : memref<327680xf32, #tpu.memory_space<hbm>> -> memref<10240xf32, #tpu.memory_space<hbm>>
      %dma_wait3A_31 = tpu.memref_slice %arg6[%mul3A_29] : memref<327680xf32, #tpu.memory_space<hbm>> -> memref<10240xf32, #tpu.memory_space<hbm>>
      tpu.wait_dma2 semaphore(%run_scoped3A : memref<!tpu.dma_semaphore, #tpu.memory_space<semaphore_mem>>) src(%arg13 : memref<10240xf32, #tpu.memory_space<vmem>>) dst(%dma_wait3A_31 : memref<10240xf32, #tpu.memory_space<hbm>>)
      tpu.yield
    }) : () -> ()
    "tpu.region"() ({
      %run_scoped3A = tpu.sem_alloc : memref<!tpu.dma_semaphore, #tpu.memory_space<semaphore_mem>>
      %dma_start3A = tpu.memref_slice %arg7[%mul3A_29] : memref<327680xf32, #tpu.memory_space<hbm>> -> memref<10240xf32, #tpu.memory_space<hbm>>
      %dma_start3A_30 = tpu.memref_slice %arg7[%mul3A_29] : memref<327680xf32, #tpu.memory_space<hbm>> -> memref<10240xf32, #tpu.memory_space<hbm>>
      tpu.enqueue_dma source(%arg14 : memref<10240xf32, #tpu.memory_space<vmem>>) target(%dma_start3A_30 : memref<10240xf32, #tpu.memory_space<hbm>>) target_semaphore(%run_scoped3A : memref<!tpu.dma_semaphore, #tpu.memory_space<semaphore_mem>>)
      %dma_wait3A = tpu.memref_slice %arg7[%mul3A_29] : memref<327680xf32, #tpu.memory_space<hbm>> -> memref<10240xf32, #tpu.memory_space<hbm>>
      %dma_wait3A_31 = tpu.memref_slice %arg7[%mul3A_29] : memref<327680xf32, #tpu.memory_space<hbm>> -> memref<10240xf32, #tpu.memory_space<hbm>>
      tpu.wait_dma2 semaphore(%run_scoped3A : memref<!tpu.dma_semaphore, #tpu.memory_space<semaphore_mem>>) src(%arg14 : memref<10240xf32, #tpu.memory_space<vmem>>) dst(%dma_wait3A_31 : memref<10240xf32, #tpu.memory_space<hbm>>)
      tpu.yield
    }) : () -> ()
    "tpu.region"() ({
      %run_scoped3A = tpu.sem_alloc : memref<!tpu.dma_semaphore, #tpu.memory_space<semaphore_mem>>
      %dma_start3A = tpu.memref_slice %arg8[%mul3A_29] : memref<327680xf32, #tpu.memory_space<hbm>> -> memref<10240xf32, #tpu.memory_space<hbm>>
      %dma_start3A_30 = tpu.memref_slice %arg8[%mul3A_29] : memref<327680xf32, #tpu.memory_space<hbm>> -> memref<10240xf32, #tpu.memory_space<hbm>>
      tpu.enqueue_dma source(%arg15 : memref<10240xf32, #tpu.memory_space<vmem>>) target(%dma_start3A_30 : memref<10240xf32, #tpu.memory_space<hbm>>) target_semaphore(%run_scoped3A : memref<!tpu.dma_semaphore, #tpu.memory_space<semaphore_mem>>)
      %dma_wait3A = tpu.memref_slice %arg8[%mul3A_29] : memref<327680xf32, #tpu.memory_space<hbm>> -> memref<10240xf32, #tpu.memory_space<hbm>>
      %dma_wait3A_31 = tpu.memref_slice %arg8[%mul3A_29] : memref<327680xf32, #tpu.memory_space<hbm>> -> memref<10240xf32, #tpu.memory_space<hbm>>
      tpu.wait_dma2 semaphore(%run_scoped3A : memref<!tpu.dma_semaphore, #tpu.memory_space<semaphore_mem>>) src(%arg15 : memref<10240xf32, #tpu.memory_space<vmem>>) dst(%dma_wait3A_31 : memref<10240xf32, #tpu.memory_space<hbm>>)
      tpu.yield
    }) : () -> ()
    return
  }
}

module attributes {stable_mosaic.version = 14 : i64} {
  func.func @_h2_body(%arg0: i32, %arg1: memref<1024x128xf32, #tpu.memory_space<vmem>>, %arg2: memref<2x1024x128xf32, #tpu.memory_space<vmem>>, %arg3: memref<32x1024xf32, #tpu.memory_space<vmem>>, %arg4: memref<128x128xf32, #tpu.memory_space<vmem>>, %arg5: memref<128x128xf32, #tpu.memory_space<vmem>>, %arg6: memref<1x128xf32, #tpu.memory_space<vmem>>, %arg7: memref<128x128xf32, #tpu.memory_space<vmem>>, %arg8: memref<1x128xf32, #tpu.memory_space<vmem>>, %arg9: memref<1x128xf32, #tpu.memory_space<vmem>>, %arg10: memref<1x1xf32, #tpu.memory_space<vmem>>, %arg11: memref<1x1xf32, #tpu.memory_space<vmem>>, %arg12: memref<1x128xf32, #tpu.memory_space<vmem>>) attributes {dimension_semantics = [#tpu.dimension_semantics<arbitrary>], iteration_bounds = array<i64: 10>, scalar_prefetch = 0 : i64, scratch_operands = 1 : i64, tpu.core_type = #tpu.core_type<tc>, window_params = [{transform_indices = @transform_0, window_bounds = array<i64: 1024, 128>}, {transform_indices = @transform_1, window_bounds = array<i64: 2, 1024, 128>}, {transform_indices = @transform_2, window_bounds = array<i64: 32, 1024>}, {pipeline_mode = #tpu.pipeline_mode<synchronous>, transform_indices = @transform_3, window_bounds = array<i64: 128, 128>}, {pipeline_mode = #tpu.pipeline_mode<synchronous>, transform_indices = @transform_4, window_bounds = array<i64: 128, 128>}, {pipeline_mode = #tpu.pipeline_mode<synchronous>, transform_indices = @transform_5, window_bounds = array<i64: 1, 128>}, {pipeline_mode = #tpu.pipeline_mode<synchronous>, transform_indices = @transform_6, window_bounds = array<i64: 128, 128>}, {pipeline_mode = #tpu.pipeline_mode<synchronous>, transform_indices = @transform_7, window_bounds = array<i64: 1, 128>}, {pipeline_mode = #tpu.pipeline_mode<synchronous>, transform_indices = @transform_8, window_bounds = array<i64: 1, 128>}, {pipeline_mode = #tpu.pipeline_mode<synchronous>, transform_indices = @transform_9, window_bounds = array<i64: 1, 1>}, {pipeline_mode = #tpu.pipeline_mode<synchronous>, transform_indices = @transform_10, window_bounds = array<i64: 1, 1>}]} {
    %get3A = arith.constant 0 : index
    %get3A_0 = arith.constant 0 : index
    %get3A_1 = vector.load %arg3[%get3A, %get3A_0] : memref<32x1024xf32, #tpu.memory_space<vmem>>, vector<32x1024xf32>
    %reduce_sum3A = arith.constant dense<0.000000e+00> : vector<1024xf32>
    %reduce_sum3A_2 = vector.multi_reduction <add>, %get3A_1, %reduce_sum3A [0] : vector<32x1024xf32> to vector<1024xf32>
    %broadcast_in_dim3A = vector.shape_cast %reduce_sum3A_2 : vector<1024xf32> to vector<1024x1xf32>
    %max3A = arith.constant 1.000000e+00 : f32
    %max3A_3 = vector.broadcast %max3A : f32 to vector<1024x1xf32>
    %max3A_4 = arith.maximumf %broadcast_in_dim3A, %max3A_3 : vector<1024x1xf32>
    %div3A = arith.constant 1.000000e+00 : f32
    %div3A_5 = vector.broadcast %div3A : f32 to vector<1024x1xf32>
    %div3A_6 = arith.divf %div3A_5, %max3A_4 : vector<1024x1xf32>
    %get3A_7 = arith.constant 0 : index
    %get3A_8 = arith.constant 0 : index
    %get3A_9 = arith.constant 0 : index
    %get3A_10 = vector.load %arg2[%get3A_7, %get3A_8, %get3A_9] : memref<2x1024x128xf32, #tpu.memory_space<vmem>>, vector<1x1024x128xf32>
    %get3A_11 = vector.shape_cast %get3A_10 : vector<1x1024x128xf32> to vector<1024x128xf32>
    %get3A_12 = arith.constant 1 : index
    %get3A_13 = arith.constant 0 : index
    %get3A_14 = arith.constant 0 : index
    %get3A_15 = vector.load %arg2[%get3A_12, %get3A_13, %get3A_14] : memref<2x1024x128xf32, #tpu.memory_space<vmem>>, vector<1x1024x128xf32>
    %get3A_16 = vector.shape_cast %get3A_15 : vector<1x1024x128xf32> to vector<1024x128xf32>
    %add3A = arith.addf %get3A_11, %get3A_16 : vector<1024x128xf32>
    %mul3A = vector.broadcast %div3A_6 : vector<1024x1xf32> to vector<1024x128xf32>
    %mul3A_17 = arith.mulf %add3A, %mul3A : vector<1024x128xf32>
    %get3A_18 = arith.constant 0 : index
    %get3A_19 = arith.constant 0 : index
    %get3A_20 = vector.load %arg1[%get3A_18, %get3A_19] : memref<1024x128xf32, #tpu.memory_space<vmem>>, vector<1024x128xf32>
    %get3A_21 = arith.constant 0 : index
    %get3A_22 = arith.constant 0 : index
    %get3A_23 = vector.load %arg4[%get3A_21, %get3A_22] : memref<128x128xf32, #tpu.memory_space<vmem>>, vector<128x128xf32>
    %dot_general3A = arith.constant dense<0.000000e+00> : vector<1024x128xf32>
    %dot_general3A_24 = tpu.matmul %get3A_20, %get3A_23, %dot_general3A {dimension_numbers = #tpu.dot_dimension_numbers<[1], [0], [0], [1], [0, 0, 1, 1], [], []>, transpose_lhs_hint = false} : vector<1024x128xf32>, vector<128x128xf32>, vector<1024x128xf32> -> vector<1024x128xf32>
    %get3A_25 = arith.constant 0 : index
    %get3A_26 = arith.constant 0 : index
    %get3A_27 = vector.load %arg5[%get3A_25, %get3A_26] : memref<128x128xf32, #tpu.memory_space<vmem>>, vector<128x128xf32>
    %dot_general3A_28 = arith.constant dense<0.000000e+00> : vector<1024x128xf32>
    %dot_general3A_29 = tpu.matmul %mul3A_17, %get3A_27, %dot_general3A_28 {dimension_numbers = #tpu.dot_dimension_numbers<[1], [0], [0], [1], [0, 0, 1, 1], [], []>, transpose_lhs_hint = false} : vector<1024x128xf32>, vector<128x128xf32>, vector<1024x128xf32> -> vector<1024x128xf32>
    %add3A_30 = arith.addf %dot_general3A_24, %dot_general3A_29 : vector<1024x128xf32>
    %get3A_31 = arith.constant 0 : index
    %get3A_32 = arith.constant 0 : index
    %get3A_33 = vector.load %arg6[%get3A_31, %get3A_32] : memref<1x128xf32, #tpu.memory_space<vmem>>, vector<1x128xf32>
    %add3A_34 = vector.broadcast %get3A_33 : vector<1x128xf32> to vector<1024x128xf32>
    %add3A_35 = arith.addf %add3A_30, %add3A_34 : vector<1024x128xf32>
    %max3A_36 = arith.constant 0.000000e+00 : f32
    %max3A_37 = vector.broadcast %max3A_36 : f32 to vector<1024x128xf32>
    %max3A_38 = arith.maximumf %add3A_35, %max3A_37 : vector<1024x128xf32>
    %mul3A_39 = arith.constant 1024 : i32
    %mul3A_40 = arith.muli %arg0, %mul3A_39 : i32
    %iota3A = tpu.iota {dimensions = array<i32: 0>} : vector<1024x1xi32>
    %add3A_41 = vector.broadcast %mul3A_40 : i32 to vector<1024x1xi32>
    %add3A_42 = arith.addi %add3A_41, %iota3A : vector<1024x1xi32>
    %lt3A = arith.constant 10000 : i32
    %lt3A_43 = vector.broadcast %lt3A : i32 to vector<1024x1xi32>
    %lt3A_44 = arith.cmpi slt, %add3A_42, %lt3A_43 : vector<1024x1xi32>
    %jit3A = arith.constant 0.000000e+00 : f32
    %broadcast_in_dim3A_45 = vector.shape_cast %lt3A_44 : vector<1024x1xi1> to vector<1024x1xi1>
    %broadcast_in_dim3A_46 = vector.broadcast %broadcast_in_dim3A_45 : vector<1024x1xi1> to vector<1024x128xi1>
    %broadcast_in_dim3A_47 = vector.broadcast %jit3A : f32 to vector<1024x128xf32>
    %select_n3A = arith.select %broadcast_in_dim3A_46, %max3A_38, %broadcast_in_dim3A_47 : vector<1024x128xi1>, vector<1024x128xf32>
    %reduce_sum3A_48 = arith.constant dense<0.000000e+00> : vector<128xf32>
    %reduce_sum3A_49 = vector.multi_reduction <add>, %select_n3A, %reduce_sum3A_48 [0] : vector<1024x128xf32> to vector<128xf32>
    %broadcast_in_dim3A_50 = vector.shape_cast %reduce_sum3A_49 : vector<128xf32> to vector<1x128xf32>
    %eq3A = arith.constant 0 : i32
    %eq3A_51 = arith.cmpi eq, %arg0, %eq3A : i32
    %convert_element_type3A = arith.extui %eq3A_51 : i1 to i32
    %cond3A = arith.constant 0 : i32
    %cond3A_52 = arith.cmpi ne, %convert_element_type3A, %cond3A : i32
    scf.if %cond3A_52 {
      %swap3A = arith.constant 0 : index
      %swap3A_62 = arith.constant 0 : index
      %swap3A_63 = vector.load %arg12[%swap3A, %swap3A_62] : memref<1x128xf32, #tpu.memory_space<vmem>>, vector<1x128xf32>
      tpu.vector_store %arg12[%swap3A, %swap3A_62], %broadcast_in_dim3A_50 {strides = array<i32>} : memref<1x128xf32, #tpu.memory_space<vmem>>, vector<1x128xf32>,
    } else {
    }
    %gt3A = arith.constant 0 : i32
    %gt3A_53 = arith.cmpi sgt, %arg0, %gt3A : i32
    %convert_element_type3A_54 = arith.extui %gt3A_53 : i1 to i32
    %cond3A_55 = arith.constant 0 : i32
    %cond3A_56 = arith.cmpi ne, %convert_element_type3A_54, %cond3A_55 : i32
    scf.if %cond3A_56 {
      %get3A_62 = arith.constant 0 : index
      %get3A_63 = arith.constant 0 : index
      %get3A_64 = vector.load %arg12[%get3A_62, %get3A_63] : memref<1x128xf32, #tpu.memory_space<vmem>>, vector<1x128xf32>
      %add3A_65 = arith.addf %get3A_64, %broadcast_in_dim3A_50 : vector<1x128xf32>
      %swap3A = arith.constant 0 : index
      %swap3A_66 = arith.constant 0 : index
      %swap3A_67 = vector.load %arg12[%swap3A, %swap3A_66] : memref<1x128xf32, #tpu.memory_space<vmem>>, vector<1x128xf32>
      tpu.vector_store %arg12[%swap3A, %swap3A_66], %add3A_65 {strides = array<i32>} : memref<1x128xf32, #tpu.memory_space<vmem>>, vector<1x128xf32>,
    } else {
    }
    %eq3A_57 = arith.constant 9 : i32
    %eq3A_58 = arith.cmpi eq, %arg0, %eq3A_57 : i32
    %convert_element_type3A_59 = arith.extui %eq3A_58 : i1 to i32
    %cond3A_60 = arith.constant 0 : i32
    %cond3A_61 = arith.cmpi ne, %convert_element_type3A_59, %cond3A_60 : i32
    scf.if %cond3A_61 {
      %get3A_62 = arith.constant 0 : index
      %get3A_63 = arith.constant 0 : index
      %get3A_64 = vector.load %arg12[%get3A_62, %get3A_63] : memref<1x128xf32, #tpu.memory_space<vmem>>, vector<1x128xf32>
      %mul3A_65 = arith.constant 9.99999974E-5 : f32
      %mul3A_66 = vector.broadcast %mul3A_65 : f32 to vector<1x128xf32>
      %mul3A_67 = arith.mulf %get3A_64, %mul3A_66 : vector<1x128xf32>
      %get3A_68 = arith.constant 0 : index
      %get3A_69 = arith.constant 0 : index
      %get3A_70 = vector.load %arg7[%get3A_68, %get3A_69] : memref<128x128xf32, #tpu.memory_space<vmem>>, vector<128x128xf32>
      %dot_general3A_71 = arith.constant dense<0.000000e+00> : vector<1x128xf32>
      %dot_general3A_72 = tpu.matmul %mul3A_67, %get3A_70, %dot_general3A_71 {dimension_numbers = #tpu.dot_dimension_numbers<[1], [0], [0], [1], [0, 0, 1, 1], [], []>, transpose_lhs_hint = false} : vector<1x128xf32>, vector<128x128xf32>, vector<1x128xf32> -> vector<1x128xf32>
      %get3A_73 = arith.constant 0 : index
      %get3A_74 = arith.constant 0 : index
      %get3A_75 = vector.load %arg8[%get3A_73, %get3A_74] : memref<1x128xf32, #tpu.memory_space<vmem>>, vector<1x128xf32>
      %add3A_76 = arith.addf %dot_general3A_72, %get3A_75 : vector<1x128xf32>
      %max3A_77 = arith.constant 0.000000e+00 : f32
      %max3A_78 = vector.broadcast %max3A_77 : f32 to vector<1x128xf32>
      %max3A_79 = arith.maximumf %add3A_76, %max3A_78 : vector<1x128xf32>
      %get3A_80 = arith.constant 0 : index
      %get3A_81 = arith.constant 0 : index
      %get3A_82 = vector.load %arg9[%get3A_80, %get3A_81] : memref<1x128xf32, #tpu.memory_space<vmem>>, vector<1x128xf32>
      %mul3A_83 = arith.mulf %max3A_79, %get3A_82 : vector<1x128xf32>
      %reduce_sum3A_84 = arith.constant dense<0.000000e+00> : vector<1xf32>
      %reduce_sum3A_85 = vector.multi_reduction <add>, %mul3A_83, %reduce_sum3A_84 [1] : vector<1x128xf32> to vector<1xf32>
      %broadcast_in_dim3A_86 = vector.shape_cast %reduce_sum3A_85 : vector<1xf32> to vector<1x1xf32>
      %get3A_87 = arith.constant 0 : index
      %get3A_88 = arith.constant 0 : index
      %get3A_89 = vector.load %arg10[%get3A_87, %get3A_88] : memref<1x1xf32, #tpu.memory_space<vmem>>, vector<1x1xf32>
      %add3A_90 = arith.addf %broadcast_in_dim3A_86, %get3A_89 : vector<1x1xf32>
      %swap3A = arith.constant 0 : index
      %swap3A_91 = arith.constant 0 : index
      %swap3A_92 = vector.load %arg11[%swap3A, %swap3A_91] : memref<1x1xf32, #tpu.memory_space<vmem>>, vector<1x1xf32>
      tpu.vector_store %arg11[%swap3A, %swap3A_91], %add3A_90 {strides = array<i32>} : memref<1x1xf32, #tpu.memory_space<vmem>>, vector<1x1xf32>,
    } else {
    }
    return
  }
  func.func @transform_0(%arg0: i32) -> (i32, i32) {
    %c0_i32 = arith.constant 0 : i32
    %c0_i32_0 = arith.constant 0 : i32
    return %arg0, %c0_i32 : i32, i32
  }
  func.func @transform_1(%arg0: i32) -> (i32, i32, i32) {
    %c0_i32 = arith.constant 0 : i32
    %c0_i32_0 = arith.constant 0 : i32
    %c0_i32_1 = arith.constant 0 : i32
    return %c0_i32, %arg0, %c0_i32_0 : i32, i32, i32
  }
  func.func @transform_2(%arg0: i32) -> (i32, i32) {
    %c0_i32 = arith.constant 0 : i32
    %c0_i32_0 = arith.constant 0 : i32
    return %c0_i32, %arg0 : i32, i32
  }
  func.func @transform_3(%arg0: i32) -> (i32, i32) {
    %c0_i32 = arith.constant 0 : i32
    %c0_i32_0 = arith.constant 0 : i32
    %c0_i32_1 = arith.constant 0 : i32
    return %c0_i32, %c0_i32_0 : i32, i32
  }
  func.func @transform_4(%arg0: i32) -> (i32, i32) {
    %c0_i32 = arith.constant 0 : i32
    %c0_i32_0 = arith.constant 0 : i32
    %c0_i32_1 = arith.constant 0 : i32
    return %c0_i32, %c0_i32_0 : i32, i32
  }
  func.func @transform_5(%arg0: i32) -> (i32, i32) {
    %c0_i32 = arith.constant 0 : i32
    %c0_i32_0 = arith.constant 0 : i32
    %c0_i32_1 = arith.constant 0 : i32
    return %c0_i32, %c0_i32_0 : i32, i32
  }
  func.func @transform_6(%arg0: i32) -> (i32, i32) {
    %c0_i32 = arith.constant 0 : i32
    %c0_i32_0 = arith.constant 0 : i32
    %c0_i32_1 = arith.constant 0 : i32
    return %c0_i32, %c0_i32_0 : i32, i32
  }
  func.func @transform_7(%arg0: i32) -> (i32, i32) {
    %c0_i32 = arith.constant 0 : i32
    %c0_i32_0 = arith.constant 0 : i32
    %c0_i32_1 = arith.constant 0 : i32
    return %c0_i32, %c0_i32_0 : i32, i32
  }
  func.func @transform_8(%arg0: i32) -> (i32, i32) {
    %c0_i32 = arith.constant 0 : i32
    %c0_i32_0 = arith.constant 0 : i32
    %c0_i32_1 = arith.constant 0 : i32
    return %c0_i32, %c0_i32_0 : i32, i32
  }
  func.func @transform_9(%arg0: i32) -> (i32, i32) {
    %c0_i32 = arith.constant 0 : i32
    %c0_i32_0 = arith.constant 0 : i32
    %c0_i32_1 = arith.constant 0 : i32
    return %c0_i32, %c0_i32_0 : i32, i32
  }
  func.func @transform_10(%arg0: i32) -> (i32, i32) {
    %c0_i32 = arith.constant 0 : i32
    %c0_i32_0 = arith.constant 0 : i32
    %c0_i32_1 = arith.constant 0 : i32
    return %c0_i32, %c0_i32_0 : i32, i32
  }
}

module attributes {stable_mosaic.version = 14 : i64} {
  func.func @_h1_body(%arg0: i32, %arg1: memref<32x1024xf32, #tpu.memory_space<vmem>>, %arg2: memref<32x1024xf32, #tpu.memory_space<vmem>>, %arg3: memref<32x1024xf32, #tpu.memory_space<vmem>>, %arg4: memref<2x1024xf32, #tpu.memory_space<vmem>>, %arg5: memref<2x128xf32, #tpu.memory_space<vmem>>, %arg6: memref<2x128xf32, #tpu.memory_space<vmem>>, %arg7: memref<1x128xf32, #tpu.memory_space<vmem>>, %arg8: memref<1024x128xf32, #tpu.memory_space<vmem>>) attributes {dimension_semantics = [#tpu.dimension_semantics<arbitrary>], iteration_bounds = array<i64: 10>, scalar_prefetch = 0 : i64, scratch_operands = 0 : i64, tpu.core_type = #tpu.core_type<tc>, window_params = [{transform_indices = @transform_0, window_bounds = array<i64: 32, 1024>}, {transform_indices = @transform_1, window_bounds = array<i64: 32, 1024>}, {transform_indices = @transform_2, window_bounds = array<i64: 32, 1024>}, {transform_indices = @transform_3, window_bounds = array<i64: 2, 1024>}, {pipeline_mode = #tpu.pipeline_mode<synchronous>, transform_indices = @transform_4, window_bounds = array<i64: 2, 128>}, {pipeline_mode = #tpu.pipeline_mode<synchronous>, transform_indices = @transform_5, window_bounds = array<i64: 2, 128>}, {pipeline_mode = #tpu.pipeline_mode<synchronous>, transform_indices = @transform_6, window_bounds = array<i64: 1, 128>}, {transform_indices = @transform_7, window_bounds = array<i64: 1024, 128>}]} {
    %get3A = arith.constant 0 : index
    %get3A_0 = arith.constant 0 : index
    %get3A_1 = vector.load %arg1[%get3A, %get3A_0] : memref<32x1024xf32, #tpu.memory_space<vmem>>, vector<32x1024xf32>
    %reduce_sum3A = arith.constant dense<0.000000e+00> : vector<1024xf32>
    %reduce_sum3A_2 = vector.multi_reduction <add>, %get3A_1, %reduce_sum3A [0] : vector<32x1024xf32> to vector<1024xf32>
    %broadcast_in_dim3A = vector.shape_cast %reduce_sum3A_2 : vector<1024xf32> to vector<1024x1xf32>
    %get3A_3 = arith.constant 0 : index
    %get3A_4 = arith.constant 0 : index
    %get3A_5 = vector.load %arg2[%get3A_3, %get3A_4] : memref<32x1024xf32, #tpu.memory_space<vmem>>, vector<32x1024xf32>
    %reduce_sum3A_6 = arith.constant dense<0.000000e+00> : vector<1024xf32>
    %reduce_sum3A_7 = vector.multi_reduction <add>, %get3A_5, %reduce_sum3A_6 [0] : vector<32x1024xf32> to vector<1024xf32>
    %broadcast_in_dim3A_8 = vector.shape_cast %reduce_sum3A_7 : vector<1024xf32> to vector<1024x1xf32>
    %get3A_9 = arith.constant 0 : index
    %get3A_10 = arith.constant 0 : index
    %get3A_11 = vector.load %arg3[%get3A_9, %get3A_10] : memref<32x1024xf32, #tpu.memory_space<vmem>>, vector<32x1024xf32>
    %reduce_sum3A_12 = arith.constant dense<0.000000e+00> : vector<1024xf32>
    %reduce_sum3A_13 = vector.multi_reduction <add>, %get3A_11, %reduce_sum3A_12 [0] : vector<32x1024xf32> to vector<1024xf32>
    %broadcast_in_dim3A_14 = vector.shape_cast %reduce_sum3A_13 : vector<1024xf32> to vector<1024x1xf32>
    %max3A = arith.constant 1.000000e+00 : f32
    %max3A_15 = vector.broadcast %max3A : f32 to vector<1024x1xf32>
    %max3A_16 = arith.maximumf %broadcast_in_dim3A, %max3A_15 : vector<1024x1xf32>
    %div3A = arith.constant 1.000000e+00 : f32
    %div3A_17 = vector.broadcast %div3A : f32 to vector<1024x1xf32>
    %div3A_18 = arith.divf %div3A_17, %max3A_16 : vector<1024x1xf32>
    %get3A_19 = arith.constant 0 : index
    %get3A_20 = arith.constant 0 : index
    %get3A_21 = vector.load %arg4[%get3A_19, %get3A_20] : memref<2x1024xf32, #tpu.memory_space<vmem>>, vector<1x1024xf32>
    %get3A_22 = vector.shape_cast %get3A_21 : vector<1x1024xf32> to vector<1024xf32>
    %broadcast_in_dim3A_23 = vector.shape_cast %get3A_22 : vector<1024xf32> to vector<1024x1xf32>
    %get3A_24 = arith.constant 1 : index
    %get3A_25 = arith.constant 0 : index
    %get3A_26 = vector.load %arg4[%get3A_24, %get3A_25] : memref<2x1024xf32, #tpu.memory_space<vmem>>, vector<1x1024xf32>
    %get3A_27 = vector.shape_cast %get3A_26 : vector<1x1024xf32> to vector<1024xf32>
    %broadcast_in_dim3A_28 = vector.shape_cast %get3A_27 : vector<1024xf32> to vector<1024x1xf32>
    %get3A_29 = arith.constant 0 : index
    %get3A_30 = arith.constant 0 : index
    %get3A_31 = vector.load %arg5[%get3A_29, %get3A_30] : memref<2x128xf32, #tpu.memory_space<vmem>>, vector<1x128xf32>
    %mul3A = vector.broadcast %broadcast_in_dim3A_23 : vector<1024x1xf32> to vector<1024x128xf32>
    %mul3A_32 = vector.broadcast %get3A_31 : vector<1x128xf32> to vector<1024x128xf32>
    %mul3A_33 = arith.mulf %mul3A, %mul3A_32 : vector<1024x128xf32>
    %get3A_34 = arith.constant 1 : index
    %get3A_35 = arith.constant 0 : index
    %get3A_36 = vector.load %arg5[%get3A_34, %get3A_35] : memref<2x128xf32, #tpu.memory_space<vmem>>, vector<1x128xf32>
    %mul3A_37 = vector.broadcast %broadcast_in_dim3A_28 : vector<1024x1xf32> to vector<1024x128xf32>
    %mul3A_38 = vector.broadcast %get3A_36 : vector<1x128xf32> to vector<1024x128xf32>
    %mul3A_39 = arith.mulf %mul3A_37, %mul3A_38 : vector<1024x128xf32>
    %add3A = arith.addf %mul3A_33, %mul3A_39 : vector<1024x128xf32>
    %mul3A_40 = arith.mulf %broadcast_in_dim3A_8, %div3A_18 : vector<1024x1xf32>
    %get3A_41 = arith.constant 0 : index
    %get3A_42 = arith.constant 0 : index
    %get3A_43 = vector.load %arg6[%get3A_41, %get3A_42] : memref<2x128xf32, #tpu.memory_space<vmem>>, vector<1x128xf32>
    %mul3A_44 = vector.broadcast %mul3A_40 : vector<1024x1xf32> to vector<1024x128xf32>
    %mul3A_45 = vector.broadcast %get3A_43 : vector<1x128xf32> to vector<1024x128xf32>
    %mul3A_46 = arith.mulf %mul3A_44, %mul3A_45 : vector<1024x128xf32>
    %add3A_47 = arith.addf %add3A, %mul3A_46 : vector<1024x128xf32>
    %mul3A_48 = arith.mulf %broadcast_in_dim3A_14, %div3A_18 : vector<1024x1xf32>
    %get3A_49 = arith.constant 1 : index
    %get3A_50 = arith.constant 0 : index
    %get3A_51 = vector.load %arg6[%get3A_49, %get3A_50] : memref<2x128xf32, #tpu.memory_space<vmem>>, vector<1x128xf32>
    %mul3A_52 = vector.broadcast %mul3A_48 : vector<1024x1xf32> to vector<1024x128xf32>
    %mul3A_53 = vector.broadcast %get3A_51 : vector<1x128xf32> to vector<1024x128xf32>
    %mul3A_54 = arith.mulf %mul3A_52, %mul3A_53 : vector<1024x128xf32>
    %add3A_55 = arith.addf %add3A_47, %mul3A_54 : vector<1024x128xf32>
    %get3A_56 = arith.constant 0 : index
    %get3A_57 = arith.constant 0 : index
    %get3A_58 = vector.load %arg7[%get3A_56, %get3A_57] : memref<1x128xf32, #tpu.memory_space<vmem>>, vector<1x128xf32>
    %add3A_59 = vector.broadcast %get3A_58 : vector<1x128xf32> to vector<1024x128xf32>
    %add3A_60 = arith.addf %add3A_55, %add3A_59 : vector<1024x128xf32>
    %max3A_61 = arith.constant 0.000000e+00 : f32
    %max3A_62 = vector.broadcast %max3A_61 : f32 to vector<1024x128xf32>
    %max3A_63 = arith.maximumf %add3A_60, %max3A_62 : vector<1024x128xf32>
    %swap3A = arith.constant 0 : index
    %swap3A_64 = arith.constant 0 : index
    %swap3A_65 = vector.load %arg8[%swap3A, %swap3A_64] : memref<1024x128xf32, #tpu.memory_space<vmem>>, vector<1024x128xf32>
    tpu.vector_store %arg8[%swap3A, %swap3A_64], %max3A_63 {strides = array<i32>} : memref<1024x128xf32, #tpu.memory_space<vmem>>, vector<1024x128xf32>,
    return
  }
  func.func @transform_0(%arg0: i32) -> (i32, i32) {
    %c0_i32 = arith.constant 0 : i32
    %c0_i32_0 = arith.constant 0 : i32
    return %c0_i32, %arg0 : i32, i32
  }
  func.func @transform_1(%arg0: i32) -> (i32, i32) {
    %c0_i32 = arith.constant 0 : i32
    %c0_i32_0 = arith.constant 0 : i32
    return %c0_i32, %arg0 : i32, i32
  }
  func.func @transform_2(%arg0: i32) -> (i32, i32) {
    %c0_i32 = arith.constant 0 : i32
    %c0_i32_0 = arith.constant 0 : i32
    return %c0_i32, %arg0 : i32, i32
  }
  func.func @transform_3(%arg0: i32) -> (i32, i32) {
    %c0_i32 = arith.constant 0 : i32
    %c0_i32_0 = arith.constant 0 : i32
    return %c0_i32, %arg0 : i32, i32
  }
  func.func @transform_4(%arg0: i32) -> (i32, i32) {
    %c0_i32 = arith.constant 0 : i32
    %c0_i32_0 = arith.constant 0 : i32
    %c0_i32_1 = arith.constant 0 : i32
    return %c0_i32, %c0_i32_0 : i32, i32
  }
  func.func @transform_5(%arg0: i32) -> (i32, i32) {
    %c0_i32 = arith.constant 0 : i32
    %c0_i32_0 = arith.constant 0 : i32
    %c0_i32_1 = arith.constant 0 : i32
    return %c0_i32, %c0_i32_0 : i32, i32
  }
  func.func @transform_6(%arg0: i32) -> (i32, i32) {
    %c0_i32 = arith.constant 0 : i32
    %c0_i32_0 = arith.constant 0 : i32
    %c0_i32_1 = arith.constant 0 : i32
    return %c0_i32, %c0_i32_0 : i32, i32
  }
  func.func @transform_7(%arg0: i32) -> (i32, i32) {
    %c0_i32 = arith.constant 0 : i32
    %c0_i32_0 = arith.constant 0 : i32
    return %arg0, %c0_i32 : i32, i32
  }
}

</mosaic_0001>

<sc_bundles>
// kernel: kernel.6.cloned.1.call-start
scs
__scs_entry_jumppad:
0x0: {  	(pc) =	sbr.rel $0x88, $3  }
0x1: {  	(tag) =	ssettag $0x0;
	lr =	simm.s32 $0x1  }
0x2: {  	[smem:$0x3F94] =	sst lr;
	_ =	strace $0xD0000000  }
0x3: {  	_ = 	snop  }
0x4: {  	_ = 	snop  }
0x5: {  	_ = 	snop  }
0x6: {  	_ = 	snop  }
0x7: {  	_ = 	snop  }
__scs_overlays_trampoline_lowered:
0x8: {  	[smem:$0x3FA3] =	sst s0  }
0x9: {  	[smem:$0x3FA4] =	sst s1  }
0xa: {  	[smem:$0x3FA5] =	sst s2  }
0xb: {  	[smem:$0x3FA6] =	sst s3  }
0xc: {  	[smem:$0x3FA7] =	sst s4  }
0xd: {  	[smem:$0x3FA8] =	sst s5  }
0xe: {  	[smem:$0x3FA9] =	sst s6  }
0xf: {  	[smem:$0x3FAA] =	sst s7  }
0x10: {  	[smem:$0x3FAB] =	sst s8  }
0x11: {  	[smem:$0x3FAC] =	sst s9;
	s0 =	simm.s32 @!p0 $0x0  }
0x12: {  	s1 =	sld [smem:$0x3F92];
	s0 =	simm.s32 @p0 $0x1  }
0x13: {  	[smem:$0x3FAD] =	sst s0;
	s0 =	simm.s32 @!p1 $0x0  }
0x14: {  	s2 =	sld [smem:$0x3F91];
	s0 =	simm.s32 @p1 $0x1  }
0x15: {  	[smem:$0x3FAE] =	sst s0;
	s0 =	simm.s32 @!p2 $0x0  }
0x16: {  	s3 =	sld [smem:$0x3FDB];
	s0 =	simm.s32 @p2 $0x1  }
0x17: {  	s4 =	simm.s32 $0x1BF5;
	[smem:$0x3FB0] =	sst s0  }
0x18: {  	s0 =	sld [smem:$0x3F93];
	_ =	swait.ge [sflag:s4], $0x0  }
0x19: {  	s7 =	sld [smem:$0x3F94]  }
0x1a: {  	s8 =	sadd.s32 $0xFFFFE003, lr  }
0x1b: {  	s9 =	sadd.s32 $0xFFFFFEF7, lr;
	s5 =	simm.s32 $0xFFFFFFFF;
	p2 =	slt.u32 s8, $0xFFFFF086  }
0x1c: {  	p1 =	slt.u32 s9, $0xF7A;
	s5 =	simm.s32 @!p2 $0x0  }
0x1d: {  	s5 =	simm.s32 @p1 $0x1;
	p0 =	seq.s32 s7, s2  }
0x1e: {  	s7 =	smul.u32 @!p0 $0xF7A, s2;
	p2 =	seq.s32 @!p0 s5, $0x0  }
0x1f: {  	s9 =	smul.u32 $0xF7A, s1;
	s8 =	simm.s32 @!p0 $0x1BF5;
	p2 =	por !p2, p0  }
0x20: {  	[sflag:s8] =	ssyncset.s32 @!p0 $0xFFFFF086;
	s6 =	sadd.s32 @!p0 s3, s7;
	s7 =	simm.s32 @!p0 $0x108  }
0x21: {  	s3 =	sadd.s32 s3, s9;
	s6 =	sadd.s32 @!p0 $0x88, s6;
	s7 =	simm.s32 @p2 $0x1082  }
0x22: {  	[simem:s7], [sflag:s8] =	dma.local @!p0 [hbm:s6], $0xF7A  }
0x23: {  	s9 =	sor.u32 $0xD0000000, s2;
	s6 =	simm.s32 $0x108;
	_ =	swait.ge @!p0 [sflag:s8], $0x0  }
0x24: {  	s3 =	sadd.s32 $0x88, s3;
	s6 =	simm.s32 @!p1 $0x1082;
	[sflag:s4] =	ssyncset.s32 $0xFFFFF086  }
0x25: {  	[simem:s6], [sflag:s4] =	dma.local [hbm:s3], $0xF7A  }
0x26: {  	[smem:$0x3F94] =	sst s1;
	(tag) =	ssettag s2;
	_ =	strace s9  }
0x27: {  	s1 =	sld [smem:$0x3FA4]  }
0x28: {  	s2 =	sld [smem:$0x3FA5]  }
0x29: {  	s4 =	sld [smem:$0x3FA7]  }
0x2a: {  	p0 =	seq.s32 s5, $0x0;
	s5 =	sld [smem:$0x3FA8]  }
0x2b: {  	s6 =	sld [smem:$0x3FA9]  }
0x2c: {  	s7 =	sld [smem:$0x3FAA]  }
0x2d: {  	s3 =	simm.s32 $0x108;
	s8 =	sld [smem:$0x3FAB]  }
0x2e: {  	s3 =	simm.s32 @!p0 $0x1082;
	s9 =	sld [smem:$0x3FAC]  }
0x2f: {  	lr =	sadd.s32 s0, s3;
	s0 =	sld [smem:$0x3FA3]  }
0x30: {  	s3 =	sld [smem:$0x3FA6]  }
0x31: {  	[smem:$0x3FAF] =	sst s10  }
0x32: {  	s10 =	sld [smem:$0x3FAD];
	_ =	sdelay $0x3  }
0x33: {  	p0 =	seq.s32 s10, $0x1;
	s10 =	sld [smem:$0x3FAF];
	_ =	sdelay $0x3  }
0x34: {  	[smem:$0x3FAF] =	sst s10  }
0x35: {  	s10 =	sld [smem:$0x3FAE];
	_ =	sdelay $0x3  }
0x36: {  	p1 =	seq.s32 s10, $0x1;
	s10 =	sld [smem:$0x3FAF];
	_ =	sdelay $0x3  }
0x37: {  	[smem:$0x3FAF] =	sst s10  }
0x38: {  	s10 =	sld [smem:$0x3FB0]  }
0x39: {  	_ = 	snop;
	(pc) =	sbr.ind lr, $3  }
0x3a: {  	_ = 	snop  }
0x3b: {  	_ = 	snop  }
0x3c: {  	p2 =	seq.s32 s10, $0x1;
	s10 =	sld [smem:$0x3FAF]  }
0x3d: {  	_ =	shalt  }
0x3e: {  	_ =	shalt  }
0x3f: {  	_ =	shalt  }
0x40: {  	_ =	shalt  }
0x41: {  	_ =	shalt  }
0x42: {  	_ =	shalt  }
0x43: {  	_ =	shalt  }
0x44: {  	_ =	shalt  }
0x45: {  	_ =	shalt  }
0x46: {  	_ =	shalt  }
0x47: {  	_ =	shalt  }
0x48: {  	_ =	shalt  }
0x49: {  	_ =	shalt  }
0x4a: {  	_ =	shalt  }
0x4b: {  	_ =	shalt  }
0x4c: {  	_ =	shalt  }
0x4d: {  	_ =	shalt  }
0x4e: {  	_ =	shalt  }
0x4f: {  	_ =	shalt  }
0x50: {  	_ =	shalt  }
0x51: {  	_ =	shalt  }
0x52: {  	_ =	shalt  }
0x53: {  	_ =	shalt  }
0x54: {  	_ =	shalt  }
0x55: {  	_ =	shalt  }
0x56: {  	_ =	shalt  }
0x57: {  	_ =	shalt  }
0x58: {  	_ =	shalt  }
0x59: {  	_ =	shalt  }
0x5a: {  	_ =	shalt  }
0x5b: {  	_ =	shalt  }
0x5c: {  	_ =	shalt  }
0x5d: {  	_ =	shalt  }
0x5e: {  	_ =	shalt  }
0x5f: {  	_ =	shalt  }
0x60: {  	_ =	shalt  }
0x61: {  	_ =	shalt  }
0x62: {  	_ =	shalt  }
0x63: {  	_ =	shalt  }
0x64: {  	_ =	shalt  }
0x65: {  	_ =	shalt  }
0x66: {  	_ =	shalt  }
0x67: {  	_ =	shalt  }
0x68: {  	_ =	shalt  }
0x69: {  	_ =	shalt  }
0x6a: {  	_ =	shalt  }
0x6b: {  	_ =	shalt  }
0x6c: {  	_ =	shalt  }
0x6d: {  	_ =	shalt  }
0x6e: {  	_ =	shalt  }
0x6f: {  	_ =	shalt  }
0x70: {  	_ =	shalt  }
0x71: {  	_ =	shalt  }
0x72: {  	_ =	shalt  }
0x73: {  	_ =	shalt  }
0x74: {  	_ =	shalt  }
0x75: {  	_ =	shalt  }
0x76: {  	_ =	shalt  }
0x77: {  	_ =	shalt  }
0x78: {  	_ =	shalt  }
0x79: {  	_ =	shalt  }
0x7a: {  	_ =	shalt  }
0x7b: {  	_ =	shalt  }
0x7c: {  	_ =	shalt  }
0x7d: {  	_ =	shalt  }
0x7e: {  	_ =	shalt  }
0x7f: {  	_ =	shalt  }
0x80: {  	_ =	shalt  }
0x81: {  	_ =	shalt  }
0x82: {  	_ =	shalt  }
0x83: {  	_ =	shalt  }
0x84: {  	_ =	shalt  }
0x85: {  	_ =	shalt  }
0x86: {  	_ =	shalt  }
0x87: {  	_ =	shalt  }
.Lfunc_end0:
.L_simem_size_0:
called_computation_lowered:
.L_overlay_start_0:
0x88: {  	s2 =	sld [smem:$0x3FD9]  }
0x89: {  	s3 =	sld [smem:$0x3FFE];
	_ =	sdelay $0x1  }
0x8a: {  	s1 =	srdreg.scid  }
0x8b: {  	s0 =	sand.u32 $0x1, s1  }
0x8c: {  	s16 =	sshll.u32 s0, $0xA;
	s2 =	sadd.s32 s3, s2  }
0x8d: {  	s2 =	sadd.s32 s2, s16  }
0x8e: {  	[smem:$0x3FBB] =	sst s2  }
0x8f: {  	_ = 	snop  }
0x90: {  	(tm) =	ssettm $0x1  }
0x91: {  	s17 =	sld [smem:$0x3FFB];
	_ =	sdelay $0x3  }
0x92: {  	_ =	strace s17  }
0x93: {  	s2 =	sld [smem:$0x3FFC];
	_ =	sdelay $0x3  }
0x94: {  	_ =	strace s2  }
0x95: {  	s2 =	sld [smem:$0x3FFD];
	_ =	sdelay $0x3  }
0x96: {  	_ =	strace s2  }
0x97: {  	_ =	strace $0x8FFFFFFF  }
0x98: {  	s18 =	sld [smem:$0x3FDB];
	_ =	sdelay $0x1  }
0x99: {  	s19 =	simm.s32 $_scs_section_size  }
0x9a: {  	s4 =	simm.s32 $_size__tile_overlayer_lowered;
	s5 =	simm.s32 $_tile_overlayer_lowered  }
0x9b: {  	s22 =	simm.s32 $0x1BFF;
	s21 =	sshll.u32 s5, $0x1;
	s2 =	sadd.s32 s19, s18  }
0x9c: {  	s6 =	simm.s32 $0x0;
	s20 =	sshll.u32 s4, $0x1;
	s4 =	sadd.s32 s21, s2  }
0x9d: {  	[timem:s6], [sflag:s22] =	dma.local [hbm:s4], s20  }
0x9e: {  	_ =	swait.ge [sflag:s22], s20  }
0x9f: {  	s3 =	ssub.s32 $0x0, s20;
	[sflag:s22] =	ssyncset.done $0x0  }
0xa0: {  	[sflag:s22] =	ssyncadd.s32 s3;
	_ =	sdelay $0x1  }
0xa1: {  	s23 =	simm.s32 $0x1B8B  }
0xa2: {  	_ =	swait.ge [sflag:s23], $0x1  }
0xa3: {  	[sflag:s23] =	ssyncset.done $0x0  }
0xa4: {  	s25 =	simm.s32 $0x1B8E;
	s24 =	sld [smem:$0x3FFE];
	[sflag:s23] =	ssyncadd.s32 $0xFFFFFFFF  }
0xa5: {  	s26 =	simm.s32 $execute0_lowered;
	[smem:$0x3FD2] =	sst s25  }
0xa6: {  	s4 =	sshll.u32 s26, $0x1;
	_ =	strace $0x80000046;
	[dreg:$0x1] =	wrdreg $0xFFFFFFFF  }
0xa7: {  	s28 =	simm.s32 $_size_execute0_lowered;
	s2 =	sadd.s32 s2, s4;
	[dreg:$0x0] =	wrdreg $0x0  }
0xa8: {  	s4 =	sshll.u32 s28, $0x1;
	[dreg:$0x2] =	wrdreg s2  }
0xa9: {  	[dreg:$0x3] =	wrdreg s4  }
0xaa: {  	[dreg:$0x4] =	wrdreg $0xC0  }
0xab: {  	_ =	task [dreg:s6], $0x5FFFF  }
0xac: {  	[dreg:$0x1] =	wrdreg $0xFFFFFFFF  }
0xad: {  	[dreg:$0x0] =	wrdreg $0x60  }
0xae: {  	[dreg:$0x2] =	wrdreg s24  }
0xaf: {  	[dreg:$0x3] =	wrdreg $0x9  }
0xb0: {  	_ =	task.clear_ibuf [dreg:s6], $0x4FFFF;
	_ =	strace $0x90000046  }
0xb1: {  	s29 =	simm.s32 $0x9;
	_ =	strace $0x80000048  }
0xb2: {  	_ =	swait.ge [sflag:s29], $0x1  }
0xb3: {  	[sflag:s29] =	ssyncadd.s32 $0xFFFFFFFF  }
0xb4: {  	_ =	strace $0x90000048  }
0xb5: {  	_ =	sfence  }
0xb6: {  	s30 =	sld [smem:$0x0];
	_ =	sdelay $0x2  }
0xb7: {  	s31 =	sshll.u32 s1, $0xD;
	s1 =	sshrl.u32 s1, $0x2  }
0xb8: {  	s3 =	sand.u32 $0x4000, s31;
	s1 =	sadd.s32 s1, s30  }
0xb9: {  	s0 =	sor.u32 s3, s0;
	s1 =	sshll.u32 s1, $0x11  }
0xba: {  	s0 =	sor.u32 s1, s0  }
0xbb: {  	s0 =	sadd.s32 $0x8F2B, s0  }
0xbc: {  	[sflag:s0] =	ssyncadd.remote.s32 $0x1  }
0xbd: {  	_ =	sfence.sel $0xFFFF  }
0xbe: {  	[dreg:$0x0] =	wrdreg $0xFFFFFFFF;
	(pc) =	sbr.abs _section_cstart, $3  }
0xbf: {  	[dreg:$0x1] =	wrdreg $0xFFFFFFFF  }
0xc0: {  	_ =	task.clear_ibuf [dreg:s6], $0x2FFFF;
	_ =	strace $0x9FFFFFFF  }
0xc1: {  	(tm) =	ssettm $0x7FFFFFFF  }
tec
execute0_lowered:
.L_overlay_start_1:
0x0: {  	(tag) =	ssettag $0x1  }
0x1: {  	s5 =	rddreg [dreg:$0x0]  }
0x2: {  	s0 =	rddreg [dreg:$0x1]  }
0x3: {  	s2 =	simm.s32 $0x0;
	s1 =	stileid.u32;
	s4 =	srdreg.scid  }
0x4: {  	s11 =	simm.s32 $0x1;
	s12 =	simm.s32 $0x2800;
	s13 =	simm.s32 $0x5000  }
0x5: {  	s14 =	simm.s32 $0x7780;
	s15 =	simm.s32 $0x9F00;
	s16 =	simm.s32 $0xC700  }
0x6: {  	s17 =	simm.s32 $0xEF00;
	s18 =	simm.s32 $0x0;
	[smem:$0x7FF] =	sst s2  }
0x7: {  	s6 =	smul.u32 $0x2780, s1;
	s3 =	sadd.s32 $0x16C00, s5;
	s7 =	sand.u32 $0x1, s4  }
0x8: {  	s26 =	sshll.u32 s1, $0x1;
	s8 =	smul.u32 $0x4F0, s1;
	_ =	strace $0x80000047  }
0x9: {  	s4 =	sor.u32 s7, s26;
	p0 =	seq.s32 s7, $0x1;
	s6 =	sshrl.u32 s6, $0x3  }
0xa: {  	s28 =	ssub.s32 $0x2, s7;
	s9 =	smul.u32 $0x500, s4;
	s6 =	sadd.s32 $0x4F00, s6  }
0xb: {  	s4 =	sadd.s32 $0x16600, s5;
	s30 =	sshrl.u32 s28, $0x1;
	s8 =	smov.u32 @p0 s6  }
0xc: {  	s31 =	ssub.s32 s28, s30;
	s29 =	sadd.s32 s9, s5;
	s10 =	sadd.s32 s8, s5  }
0xd: {  	s5 =	sadd.s32 $0x17200, s29;
	s6 =	sadd.s32 $0x21200, s29;
	s7 =	sadd.s32 $0x2B200, s29  }
0xe: {  	v0 =	vimm.f32 $0.0e+00;
	v1 =	vimm.f32 $1.000000000e+00;
	s8 =	smax.u32 s31, $0x1;
	s9 =	sadd.s32 $0x2A00, s10;
	s10 =	sadd.s32 $0xC800, s10  }
.LBB2_1:
0xf: {  	[tilespmem:s2], [sflag:$0x1] =	stream.linear.gather [hbm4b:s3+s2], $0x2800, $0x38;
	[tilespmem:$0x11700] =	vst v63  }
0x10: {  	_ =	swait.ge [sflag:s11], $0x2800  }
0x11: {  	[sflag:s11] =	ssyncset.done $0x0  }
0x12: {  	[sflag:s11] =	ssyncadd.s32 $0xFFFFD800  }
0x13: {  	[tilespmem:s12], [sflag:$0x1] =	stream.linear.gather [hbm4b:s4+s2], $0x2800, $0x38;
	[tilespmem:$0x11700] =	vst v63  }
0x14: {  	_ =	swait.ge [sflag:s11], $0x2800  }
0x15: {  	[sflag:s11] =	ssyncset.done $0x0  }
0x16: {  	[sflag:s11] =	ssyncadd.s32 $0xFFFFD800  }
0x17: {  	[tilespmem:s13], [sflag:$0x1] =	stream.linear.gather [hbm4b:s9+s2], $0x2780, $0x38;
	[tilespmem:$0x11700] =	vst v63  }
0x18: {  	_ =	swait.ge [sflag:s11], $0x2780  }
0x19: {  	[sflag:s11] =	ssyncset.done $0x0  }
0x1a: {  	[sflag:s11] =	ssyncadd.s32 $0xFFFFD880  }
0x1b: {  	[tilespmem:s14], [sflag:$0x1] =	stream.linear.gather [hbm4b:s10+s2], $0x2780, $0x38;
	[tilespmem:$0x11700] =	vst v63  }
0x1c: {  	_ =	swait.ge [sflag:s11], $0x2780  }
0x1d: {  	[sflag:s11] =	ssyncset.done $0x0  }
0x1e: {  	s19 =	simm.s32 $0x0;
	[sflag:s11] =	ssyncadd.s32 $0xFFFFD880  }
.LBB2_2:
0x1f: {  	p0 =	sne.s32 s19, $0x9FC0  }
.Ltmp0:
0x20: {  	_ = 	snop;
	(pc) =	sbr.rel @p0 .LBB2_2-.Ltmp0, $4  }
0x21: {  	s20 =	sshra.s32 s19, $0x2  }
0x22: {  	[tilespmem:s20+$0x9F00] =	vst v0  }
0x23: {  	[tilespmem:s20+$0xC700] =	vst v0  }
0x24: {  	s19 =	sadd.s32 $0x40, s19;
	[tilespmem:s20+$0xEF00] =	vst v0  }
0x25: {  	s20 =	simm.s32 $0x0  }
0x26: {  	s19 =	simm.s32 $0x40;
	v2 =	vld [tilespmem:s20+$0x5000]  }
.LBB2_4:
0x27: {  	p0 =	sne.s32 s19, $0x9DC0;
	v3 =	vld [tilespmem:s20+$0x7780];
	_ =	sdelay $0x6  }
0x28: {  	v4 =	vld.idx.msk [tilespmem:v2+s2+$0x0], $0xffff  }
0x29: {  	v2 =	vld.idx.msk [tilespmem:v2+s12+$0x0], $0xffff;
	_ =	sdelay $0x2  }
.Ltmp1:
0x2a: {  	(pc) =	sbr.rel @p0 .LBB2_4-.Ltmp1, $4  }
0x2b: {  	[tilespmem:v3+s15+$0x0] =	vst.idx.add.f32.msk $0xffff, v1  }
0x2c: {  	[tilespmem:v3+s16+$0x0] =	vst.idx.add.f32.msk $0xffff, v4  }
0x2d: {  	s20 =	sshra.s32 s19, $0x2;
	[tilespmem:v3+s17+$0x0] =	vst.idx.add.f32.msk $0xffff, v2  }
0x2e: {  	s19 =	sadd.s32 $0x40, s19;
	v2 =	vld [tilespmem:s20+$0x5000]  }
0x2f: {  	_ =	sdelay $0x3  }
0x30: {  	v3 =	vld [tilespmem:s20+$0x7780];
	_ =	sdelay $0x3  }
0x31: {  	v4 =	vld.idx.msk [tilespmem:v2+s2+$0x0], $0xffff  }
0x32: {  	v2 =	vld.idx.msk [tilespmem:v2+s12+$0x0], $0xffff;
	_ =	sdelay $0x2  }
0x33: {  	[tilespmem:v3+s15+$0x0] =	vst.idx.add.f32.msk $0xffff, v1  }
0x34: {  	[tilespmem:v3+s16+$0x0] =	vst.idx.add.f32.msk $0xffff, v4  }
0x35: {  	[tilespmem:v3+s17+$0x0] =	vst.idx.add.f32.msk $0xffff, v2  }
0x36: {  	[hbm4b:s5+s2] =	stream.linear.scatter [tilespmem:s15], [sflag:$0x1], $0x2800, $0x38;
	[tilespmem:$0x11700] =	vst v63  }
0x37: {  	_ =	swait.ge [sflag:s11], $0x2800  }
0x38: {  	[sflag:s11] =	ssyncset.done $0x0  }
0x39: {  	[sflag:s11] =	ssyncadd.s32 $0xFFFFD800  }
0x3a: {  	[hbm4b:s6+s2] =	stream.linear.scatter [tilespmem:s16], [sflag:$0x1], $0x2800, $0x38;
	[tilespmem:$0x11700] =	vst v63  }
0x3b: {  	s18 =	sadd.s32 $0x1, s18;
	_ =	swait.ge [sflag:s11], $0x2800  }
0x3c: {  	p0 =	sne.s32 s18, s8;
	[sflag:s11] =	ssyncset.done $0x0  }
.Ltmp2:
0x3d: {  	[sflag:s11] =	ssyncadd.s32 $0xFFFFD800;
	(pc) =	sbr.rel @p0 .LBB2_1-.Ltmp2, $4  }
0x3e: {  	[hbm4b:s7+s2] =	stream.linear.scatter [tilespmem:s17], [sflag:$0x1], $0x2800, $0x38;
	[tilespmem:$0x11700] =	vst v63  }
0x3f: {  	_ =	swait.ge [sflag:s11], $0x2800  }
0x40: {  	[sflag:s11] =	ssyncset.done $0x0  }
0x41: {  	[sflag:s11] =	ssyncadd.s32 $0xFFFFD800  }
0x42: {  	_ =	sfence.sel $0x180000  }
0x43: {  	[bflag:$0x0] =	sbarrier.arrive $0xFFFF  }
0x44: {  	p0 =	sne.s32 s1, $0x0;
	_ =	strace $0x90000047  }
0x45: {  	s0 =	sadd.s32 @!p0 $0x100000, s0;
	[bflag:$0x2] =	sbarrier.arrive $0xFFFF  }
0x46: {  	[sflag:s0] =	ssyncadd.tile.s32 @!p0 $0x1;
	_ =	shalt  }
.Lfunc_end2:
_tile_overlayer_lowered:
.L_overlay_start_2:
0x47: {  	(tag) =	ssettag $0x2  }
0x48: {  	s0 =	rddreg [dreg:$0x0];
	s2 =	stileid.u32  }
0x49: {  	s1 =	rddreg [dreg:$0x1];
	p0 =	sne.s32 s2, $0x0  }
0x4a: {  	s3 =	rddreg [dreg:$0x2];
	[bflag:$0x3] =	sbarrier.arrive $0xFFFF;
	s2 =	simm.s32 @!p0 $0x1C01  }
0x4b: {  	[timem:s3], [sflag:s2] =	dma.local @!p0 [hbm:s0], s1  }
0x4c: {  	s0 =	simm.s32 @!p0 $0x1  }
0x4d: {  	_ =	swait.ge @!p0 [sflag:s0], s1  }
0x4e: {  	s1 =	ssub.s32 @!p0 $0x0, s1;
	[sflag:s0] =	ssyncset.done @!p0 $0x0  }
0x4f: {  	[sflag:s0] =	ssyncadd.s32 @!p0 s1  }
0x50: {  	[bflag:$0x3] =	sbarrier.arrive $0xFFFF  }
0x51: {  	_ =	shalt  }

// kernel: kernel.9.cloned.1.call-start
scs
__scs_entry_jumppad:
0x0: {  	(pc) =	sbr.rel $0x88, $3  }
0x1: {  	(tag) =	ssettag $0x0;
	lr =	simm.s32 $0x1  }
0x2: {  	[smem:$0x3F94] =	sst lr;
	_ =	strace $0xD0000000  }
0x3: {  	_ = 	snop  }
0x4: {  	_ = 	snop  }
0x5: {  	_ = 	snop  }
0x6: {  	_ = 	snop  }
0x7: {  	_ = 	snop  }
__scs_overlays_trampoline_lowered:
0x8: {  	[smem:$0x3FA3] =	sst s0  }
0x9: {  	[smem:$0x3FA4] =	sst s1  }
0xa: {  	[smem:$0x3FA5] =	sst s2  }
0xb: {  	[smem:$0x3FA6] =	sst s3  }
0xc: {  	[smem:$0x3FA7] =	sst s4  }
0xd: {  	[smem:$0x3FA8] =	sst s5  }
0xe: {  	[smem:$0x3FA9] =	sst s6  }
0xf: {  	[smem:$0x3FAA] =	sst s7  }
0x10: {  	[smem:$0x3FAB] =	sst s8  }
0x11: {  	[smem:$0x3FAC] =	sst s9;
	s0 =	simm.s32 @!p0 $0x0  }
0x12: {  	s1 =	sld [smem:$0x3F92];
	s0 =	simm.s32 @p0 $0x1  }
0x13: {  	[smem:$0x3FAD] =	sst s0;
	s0 =	simm.s32 @!p1 $0x0  }
0x14: {  	s2 =	sld [smem:$0x3F91];
	s0 =	simm.s32 @p1 $0x1  }
0x15: {  	[smem:$0x3FAE] =	sst s0;
	s0 =	simm.s32 @!p2 $0x0  }
0x16: {  	s3 =	sld [smem:$0x3FDB];
	s0 =	simm.s32 @p2 $0x1  }
0x17: {  	s4 =	simm.s32 $0x1BF5;
	[smem:$0x3FB0] =	sst s0  }
0x18: {  	s0 =	sld [smem:$0x3F93];
	_ =	swait.ge [sflag:s4], $0x0  }
0x19: {  	s7 =	sld [smem:$0x3F94]  }
0x1a: {  	s8 =	sadd.s32 $0xFFFFE003, lr  }
0x1b: {  	s9 =	sadd.s32 $0xFFFFFEF7, lr;
	s5 =	simm.s32 $0xFFFFFFFF;
	p2 =	slt.u32 s8, $0xFFFFF086  }
0x1c: {  	p1 =	slt.u32 s9, $0xF7A;
	s5 =	simm.s32 @!p2 $0x0  }
0x1d: {  	s5 =	simm.s32 @p1 $0x1;
	p0 =	seq.s32 s7, s2  }
0x1e: {  	s7 =	smul.u32 @!p0 $0xF7A, s2;
	p2 =	seq.s32 @!p0 s5, $0x0  }
0x1f: {  	s9 =	smul.u32 $0xF7A, s1;
	s8 =	simm.s32 @!p0 $0x1BF5;
	p2 =	por !p2, p0  }
0x20: {  	[sflag:s8] =	ssyncset.s32 @!p0 $0xFFFFF086;
	s6 =	sadd.s32 @!p0 s3, s7;
	s7 =	simm.s32 @!p0 $0x108  }
0x21: {  	s3 =	sadd.s32 s3, s9;
	s6 =	sadd.s32 @!p0 $0x88, s6;
	s7 =	simm.s32 @p2 $0x1082  }
0x22: {  	[simem:s7], [sflag:s8] =	dma.local @!p0 [hbm:s6], $0xF7A  }
0x23: {  	s9 =	sor.u32 $0xD0000000, s2;
	s6 =	simm.s32 $0x108;
	_ =	swait.ge @!p0 [sflag:s8], $0x0  }
0x24: {  	s3 =	sadd.s32 $0x88, s3;
	s6 =	simm.s32 @!p1 $0x1082;
	[sflag:s4] =	ssyncset.s32 $0xFFFFF086  }
0x25: {  	[simem:s6], [sflag:s4] =	dma.local [hbm:s3], $0xF7A  }
0x26: {  	[smem:$0x3F94] =	sst s1;
	(tag) =	ssettag s2;
	_ =	strace s9  }
0x27: {  	s1 =	sld [smem:$0x3FA4]  }
0x28: {  	s2 =	sld [smem:$0x3FA5]  }
0x29: {  	s4 =	sld [smem:$0x3FA7]  }
0x2a: {  	p0 =	seq.s32 s5, $0x0;
	s5 =	sld [smem:$0x3FA8]  }
0x2b: {  	s6 =	sld [smem:$0x3FA9]  }
0x2c: {  	s7 =	sld [smem:$0x3FAA]  }
0x2d: {  	s3 =	simm.s32 $0x108;
	s8 =	sld [smem:$0x3FAB]  }
0x2e: {  	s3 =	simm.s32 @!p0 $0x1082;
	s9 =	sld [smem:$0x3FAC]  }
0x2f: {  	lr =	sadd.s32 s0, s3;
	s0 =	sld [smem:$0x3FA3]  }
0x30: {  	s3 =	sld [smem:$0x3FA6]  }
0x31: {  	[smem:$0x3FAF] =	sst s10  }
0x32: {  	s10 =	sld [smem:$0x3FAD];
	_ =	sdelay $0x3  }
0x33: {  	p0 =	seq.s32 s10, $0x1;
	s10 =	sld [smem:$0x3FAF];
	_ =	sdelay $0x3  }
0x34: {  	[smem:$0x3FAF] =	sst s10  }
0x35: {  	s10 =	sld [smem:$0x3FAE];
	_ =	sdelay $0x3  }
0x36: {  	p1 =	seq.s32 s10, $0x1;
	s10 =	sld [smem:$0x3FAF];
	_ =	sdelay $0x3  }
0x37: {  	[smem:$0x3FAF] =	sst s10  }
0x38: {  	s10 =	sld [smem:$0x3FB0]  }
0x39: {  	_ = 	snop;
	(pc) =	sbr.ind lr, $3  }
0x3a: {  	_ = 	snop  }
0x3b: {  	_ = 	snop  }
0x3c: {  	p2 =	seq.s32 s10, $0x1;
	s10 =	sld [smem:$0x3FAF]  }
0x3d: {  	_ =	shalt  }
0x3e: {  	_ =	shalt  }
0x3f: {  	_ =	shalt  }
0x40: {  	_ =	shalt  }
0x41: {  	_ =	shalt  }
0x42: {  	_ =	shalt  }
0x43: {  	_ =	shalt  }
0x44: {  	_ =	shalt  }
0x45: {  	_ =	shalt  }
0x46: {  	_ =	shalt  }
0x47: {  	_ =	shalt  }
0x48: {  	_ =	shalt  }
0x49: {  	_ =	shalt  }
0x4a: {  	_ =	shalt  }
0x4b: {  	_ =	shalt  }
0x4c: {  	_ =	shalt  }
0x4d: {  	_ =	shalt  }
0x4e: {  	_ =	shalt  }
0x4f: {  	_ =	shalt  }
0x50: {  	_ =	shalt  }
0x51: {  	_ =	shalt  }
0x52: {  	_ =	shalt  }
0x53: {  	_ =	shalt  }
0x54: {  	_ =	shalt  }
0x55: {  	_ =	shalt  }
0x56: {  	_ =	shalt  }
0x57: {  	_ =	shalt  }
0x58: {  	_ =	shalt  }
0x59: {  	_ =	shalt  }
0x5a: {  	_ =	shalt  }
0x5b: {  	_ =	shalt  }
0x5c: {  	_ =	shalt  }
0x5d: {  	_ =	shalt  }
0x5e: {  	_ =	shalt  }
0x5f: {  	_ =	shalt  }
0x60: {  	_ =	shalt  }
0x61: {  	_ =	shalt  }
0x62: {  	_ =	shalt  }
0x63: {  	_ =	shalt  }
0x64: {  	_ =	shalt  }
0x65: {  	_ =	shalt  }
0x66: {  	_ =	shalt  }
0x67: {  	_ =	shalt  }
0x68: {  	_ =	shalt  }
0x69: {  	_ =	shalt  }
0x6a: {  	_ =	shalt  }
0x6b: {  	_ =	shalt  }
0x6c: {  	_ =	shalt  }
0x6d: {  	_ =	shalt  }
0x6e: {  	_ =	shalt  }
0x6f: {  	_ =	shalt  }
0x70: {  	_ =	shalt  }
0x71: {  	_ =	shalt  }
0x72: {  	_ =	shalt  }
0x73: {  	_ =	shalt  }
0x74: {  	_ =	shalt  }
0x75: {  	_ =	shalt  }
0x76: {  	_ =	shalt  }
0x77: {  	_ =	shalt  }
0x78: {  	_ =	shalt  }
0x79: {  	_ =	shalt  }
0x7a: {  	_ =	shalt  }
0x7b: {  	_ =	shalt  }
0x7c: {  	_ =	shalt  }
0x7d: {  	_ =	shalt  }
0x7e: {  	_ =	shalt  }
0x7f: {  	_ =	shalt  }
0x80: {  	_ =	shalt  }
0x81: {  	_ =	shalt  }
0x82: {  	_ =	shalt  }
0x83: {  	_ =	shalt  }
0x84: {  	_ =	shalt  }
0x85: {  	_ =	shalt  }
0x86: {  	_ =	shalt  }
0x87: {  	_ =	shalt  }
.Lfunc_end0:
.L_simem_size_0:
called_computation.1_lowered:
.L_overlay_start_0:
0x88: {  	s2 =	sld [smem:$0x3FD9]  }
0x89: {  	s3 =	sld [smem:$0x3FFE];
	_ =	sdelay $0x1  }
0x8a: {  	s1 =	srdreg.scid  }
0x8b: {  	s0 =	sand.u32 $0x1, s1  }
0x8c: {  	s16 =	sshll.u32 s0, $0xA;
	s2 =	sadd.s32 s3, s2  }
0x8d: {  	s2 =	sadd.s32 s2, s16  }
0x8e: {  	[smem:$0x3FBB] =	sst s2  }
0x8f: {  	_ = 	snop  }
0x90: {  	(tm) =	ssettm $0x1  }
0x91: {  	s17 =	sld [smem:$0x3FFB];
	_ =	sdelay $0x3  }
0x92: {  	_ =	strace s17  }
0x93: {  	s2 =	sld [smem:$0x3FFC];
	_ =	sdelay $0x3  }
0x94: {  	_ =	strace s2  }
0x95: {  	s2 =	sld [smem:$0x3FFD];
	_ =	sdelay $0x3  }
0x96: {  	_ =	strace s2  }
0x97: {  	_ =	strace $0x8FFFFFFF  }
0x98: {  	s18 =	sld [smem:$0x3FDB];
	_ =	sdelay $0x1  }
0x99: {  	s19 =	simm.s32 $_scs_section_size  }
0x9a: {  	s4 =	simm.s32 $_size__tile_overlayer_lowered;
	s5 =	simm.s32 $_tile_overlayer_lowered  }
0x9b: {  	s22 =	simm.s32 $0x1BFF;
	s21 =	sshll.u32 s5, $0x1;
	s2 =	sadd.s32 s19, s18  }
0x9c: {  	s6 =	simm.s32 $0x0;
	s20 =	sshll.u32 s4, $0x1;
	s4 =	sadd.s32 s21, s2  }
0x9d: {  	[timem:s6], [sflag:s22] =	dma.local [hbm:s4], s20  }
0x9e: {  	_ =	swait.ge [sflag:s22], s20  }
0x9f: {  	s3 =	ssub.s32 $0x0, s20;
	[sflag:s22] =	ssyncset.done $0x0  }
0xa0: {  	[sflag:s22] =	ssyncadd.s32 s3;
	_ =	sdelay $0x1  }
0xa1: {  	s23 =	simm.s32 $0x1B8B  }
0xa2: {  	_ =	swait.ge [sflag:s23], $0x1  }
0xa3: {  	[sflag:s23] =	ssyncset.done $0x0  }
0xa4: {  	s25 =	simm.s32 $0x1B8E;
	s24 =	sld [smem:$0x3FFE];
	[sflag:s23] =	ssyncadd.s32 $0xFFFFFFFF  }
0xa5: {  	s26 =	simm.s32 $execute0_lowered;
	[smem:$0x3FD2] =	sst s25  }
0xa6: {  	s4 =	sshll.u32 s26, $0x1;
	_ =	strace $0x80000049;
	[dreg:$0x1] =	wrdreg $0xFFFFFFFF  }
0xa7: {  	s28 =	simm.s32 $_size_execute0_lowered;
	s2 =	sadd.s32 s2, s4;
	[dreg:$0x0] =	wrdreg $0x0  }
0xa8: {  	s4 =	sshll.u32 s28, $0x1;
	[dreg:$0x2] =	wrdreg s2  }
0xa9: {  	[dreg:$0x3] =	wrdreg s4  }
0xaa: {  	[dreg:$0x4] =	wrdreg $0xC0  }
0xab: {  	_ =	task [dreg:s6], $0x5FFFF  }
0xac: {  	[dreg:$0x1] =	wrdreg $0xFFFFFFFF  }
0xad: {  	[dreg:$0x0] =	wrdreg $0x60  }
0xae: {  	[dreg:$0x2] =	wrdreg s24  }
0xaf: {  	[dreg:$0x3] =	wrdreg $0x82000  }
0xb0: {  	[dreg:$0x4] =	wrdreg $0x9  }
0xb1: {  	_ =	task.clear_ibuf [dreg:s6], $0x5FFFF;
	_ =	strace $0x90000049  }
0xb2: {  	s29 =	simm.s32 $0x9;
	_ =	strace $0x8000004B  }
0xb3: {  	_ =	swait.ge [sflag:s29], $0x1  }
0xb4: {  	[sflag:s29] =	ssyncadd.s32 $0xFFFFFFFF  }
0xb5: {  	_ =	strace $0x9000004B  }
0xb6: {  	_ =	sfence  }
0xb7: {  	s30 =	sld [smem:$0x0];
	_ =	sdelay $0x2  }
0xb8: {  	s31 =	sshll.u32 s1, $0xD;
	s1 =	sshrl.u32 s1, $0x2  }
0xb9: {  	s3 =	sand.u32 $0x4000, s31;
	s1 =	sadd.s32 s1, s30  }
0xba: {  	s0 =	sor.u32 s3, s0;
	s1 =	sshll.u32 s1, $0x11  }
0xbb: {  	s0 =	sor.u32 s1, s0  }
0xbc: {  	s0 =	sadd.s32 $0x8F2B, s0  }
0xbd: {  	[sflag:s0] =	ssyncadd.remote.s32 $0x1  }
0xbe: {  	_ =	sfence.sel $0xFFFF  }
0xbf: {  	[dreg:$0x0] =	wrdreg $0xFFFFFFFF;
	(pc) =	sbr.abs _section_cstart, $3  }
0xc0: {  	[dreg:$0x1] =	wrdreg $0xFFFFFFFF  }
0xc1: {  	_ =	task.clear_ibuf [dreg:s6], $0x2FFFF;
	_ =	strace $0x9FFFFFFF  }
0xc2: {  	(tm) =	ssettm $0x7FFFFFFF  }
0xc3: {  	_ =	shalt  }
tec
execute0_lowered:
.L_overlay_start_1:
0x0: {  	(tag) =	ssettag $0x1  }
0x1: {  	s0 =	rddreg [dreg:$0x0]  }
0x2: {  	s1 =	rddreg [dreg:$0x1]  }
0x3: {  	s3 =	simm.s32 $0x0;
	s2 =	srdreg.scid;
	s24 =	stileid.u32  }
0x4: {  	s28 =	simm.s32 $0x200;
	s29 =	simm.s32 $0x5;
	s31 =	simm.s32 $0x80  }
0x5: {  	[smem:$0x7FF] =	sst s3;
	s4 =	sadd.s32 $0x16600, s0;
	s7 =	smul.u32 $0x50000, s24  }
0x6: {  	s2 =	sand.u32 $0x1, s2;
	s5 =	sadd.s32 $0x2A00, s0;
	s13 =	smul.u32 $0x14000, s24  }
0x7: {  	s6 =	sadd.s32 $0xC800, s0;
	s0 =	sadd.s32 $0x3E600, s0;
	s10 =	smul.u32 $0xE80, s24  }
0x8: {  	s11 =	smul.u32 $0x4080, s24;
	_ =	strace $0x8000004A;
	s8 =	ssub.s32 $0x2, s2  }
0x9: {  	p0 =	seq.s32 s2, $0x0;
	s2 =	smul.u32 $0x140000, s2;
	s9 =	sshrl.u32 s8, $0x1  }
0xa: {  	s15 =	sadd.s32 $0x4000, s13;
	s16 =	sadd.s32 $0x8000, s13;
	s17 =	sadd.s32 $0xC000, s13  }
0xb: {  	s18 =	sadd.s32 $0x40800, s10;
	s19 =	sadd.s32 $0x10000, s13;
	s14 =	ssub.s32 s8, s9  }
0xc: {  	s8 =	sadd.s32 s15, s1;
	s9 =	sadd.s32 s16, s1;
	s10 =	sadd.s32 s17, s1  }
0xd: {  	s18 =	smov.u32 @p0 s11;
	s11 =	simm.s32 $0x81;
	s12 =	sadd.s32 s19, s1  }
0xe: {  	s13 =	sadd.s32 s13, s2;
	s15 =	sadd.s32 s2, s15;
	s16 =	sadd.s32 s2, s16  }
0xf: {  	s17 =	sadd.s32 s2, s17;
	s2 =	sadd.s32 s2, s19;
	s13 =	sshrl.u32 s13, $0x3  }
0x10: {  	s15 =	sshrl.u32 s15, $0x3;
	s16 =	sshrl.u32 s16, $0x3;
	s17 =	sshrl.u32 s17, $0x3  }
0x11: {  	s2 =	sshrl.u32 s2, $0x3;
	s22 =	sadd.s32 s0, s13;
	s23 =	sadd.s32 s0, s15  }
0x12: {  	s26 =	sadd.s32 s0, s16;
	s15 =	sadd.s32 s0, s17;
	s0 =	sadd.s32 s0, s2  }
0x13: {  	s20 =	sshrl.u32 s18, $0x3;
	s13 =	smax.u32 s14, $0x1;
	[dreg:$0x6] =	wrdreg s0  }
0x14: {  	s11 =	simm.s32 @!p0 $0x1D;
	s25 =	sadd.s32 s5, s20;
	[dreg:$0x7] =	wrdreg s13  }
0x15: {  	s30 =	sadd.s32 s6, s20;
	s21 =	sadd.s32 $0x1, s11;
	[dreg:$0x3] =	wrdreg s23  }
0x16: {  	s14 =	sadd.s32 $0x10, s20;
	s16 =	sadd.s32 $0x20, s20;
	[dreg:$0x4] =	wrdreg s26  }
0x17: {  	s19 =	sshrl.u32 s21, $0x1;
	s0 =	sadd.s32 s6, s14;
	[dreg:$0x5] =	wrdreg s15  }
0x18: {  	p0 =	seq.s32 s21, $0x2;
	s21 =	sadd.s32 s5, s14;
	[dreg:$0x9] =	wrdreg s0  }
.Ltmp0:
0x19: {  	s20 =	sadd.s32 s5, s16;
	[dreg:$0x8] =	wrdreg s21;
	(pc) =	sbr.rel .LBB2_1-.Ltmp0, $4  }
0x1a: {  	s7 =	sshrl.u32 s7, $0x2;
	s0 =	sadd.s32 s6, s16;
	[dreg:$0xa] =	wrdreg s20  }
0x1b: {  	s7 =	sadd.s32 s7, s1;
	s17 =	sadd.s32 $0xFFFFFFFF, s19;
	[dreg:$0xb] =	wrdreg s0  }
0x1c: {  	s13 =	simm.s32 $0x3;
	s19 =	sadd.s32 $0x180, s18;
	[dreg:$0xc] =	wrdreg s17  }
0x1d: {  	v0 =	vimm.f32 $0.0e+00;
	s16 =	simm.s32 $0x0;
	[dreg:$0xd] =	wrdreg s19;
	s19 =	simm.s32 $0x100  }
.LBB2_5:
0x1e: {  	s26 =	rddreg [dreg:$0xd]  }
.LBB2_10:
0x1f: {  	p1 =	por p1, !p2  }
0x20: {  	[sflag:s23] =	ssyncset.done @!p1 $0x0  }
0x21: {  	s0 =	simm.s32 @!p4 $0x4;
	[sflag:s23] =	ssyncadd.s32 @!p1 $0xFFFFC000  }
0x22: {  	[spmem:s1] =	stream.indirect.scatter.add.f32 @!p1 [tilespmem:s21], [sflag:$0x4], $0x80, s20, s17, $0xb8;
	[tilespmem:$0x1C200] =	vst v63  }
0x23: {  	s2 =	sshrl.u32 @!p4 s26, $0x3;
	_ =	swait.ge @!p4 [sflag:s0], $0x4000  }
0x24: {  	s17 =	simm.s32 @!p4 $0x80;
	s20 =	sadd.s32 @!p4 s5, s2;
	[sflag:s0] =	ssyncset.done @!p4 $0x0  }
0x25: {  	s21 =	simm.s32 @!p4 $0x0;
	[sflag:s0] =	ssyncadd.s32 @!p4 $0xFFFFC000;
	s0 =	simm.s32 @!p4 $0x5  }
0x26: {  	[tilespmem:s17], [sflag:$0x5] =	stream.linear.gather @!p4 [hbm4b:s20+s21], $0x80, $0x38;
	[tilespmem:$0x1C200] =	vst v63  }
0x27: {  	p1 =	por p4, p4;
	_ =	swait.ge @!p4 [sflag:s0], $0x80  }
0x28: {  	[sflag:s0] =	ssyncset.done @!p1 $0x0  }
0x29: {  	s2 =	sadd.s32 @!p4 s6, s2;
	s20 =	simm.s32 @!p1 $0x180;
	[sflag:s0] =	ssyncadd.s32 @!p1 $0xFFFFFF80  }
0x2a: {  	[tilespmem:s20], [sflag:$0x5] =	stream.linear.gather @!p1 [hbm4b:s2+s21], $0x80, $0x38;
	[tilespmem:$0x1C200] =	vst v63  }
0x2b: {  	s23 =	sadd.s32 $0xFFFFFFFE, s18;
	_ =	swait.ge @!p1 [sflag:s0], $0x80  }
0x2c: {  	p3 =	sge.u32 s23, s11;
	[sflag:s0] =	ssyncset.done @!p1 $0x0  }
0x2d: {  	s2 =	simm.s32 @!p1 $0x4200;
	[sflag:s0] =	ssyncadd.s32 @!p1 $0xFFFFFF80;
	s0 =	simm.s32 @!p3 $0x1  }
0x2e: {  	[tilespmem:s2], [sflag:$0x2] =	stream.indirect.gather @!p1 [hbm4b:s4+s17], $0x80, s17, s17, $0xb8;
	[tilespmem:$0x1C200] =	vst v63  }
0x2f: {  	p2 =	sge.u32 s18, s11;
	_ =	swait.ge @!p3 [sflag:s0], $0x4000  }
0x30: {  	s18 =	simm.s32 @!p3 $0x80;
	s22 =	simm.s32 @!p3 $0x100;
	[sflag:s0] =	ssyncset.done @!p3 $0x0  }
0x31: {  	s21 =	simm.s32 @!p3 $0x200;
	[sflag:s0] =	ssyncadd.s32 @!p3 $0xFFFFC000;
	s0 =	simm.s32 @!p2 $0x3  }
0x32: {  	[spmem:s1] =	stream.indirect.scatter.add.f32 @!p3 [tilespmem:s21], [sflag:$0x3], $0x80, s22, s18, $0xb8;
	[tilespmem:$0x1C200] =	vst v63  }
0x33: {  	s23 =	sadd.s32 @!p2 $0x80, s26;
	_ =	swait.ge @!p2 [sflag:s0], $0x4000  }
0x34: {  	s18 =	sshrl.u32 @!p2 s23, $0x3;
	s22 =	simm.s32 @!p2 $0x0;
	[sflag:s0] =	ssyncset.done @!p2 $0x0  }
0x35: {  	s21 =	sadd.s32 @!p2 s5, s18;
	[sflag:s0] =	ssyncadd.s32 @!p2 $0xFFFFC000;
	s0 =	simm.s32 @!p2 $0x5  }
0x36: {  	[tilespmem:s22], [sflag:$0x5] =	stream.linear.gather @!p2 [hbm4b:s21+s22], $0x80, $0x38;
	[tilespmem:$0x1C200] =	vst v63  }
0x37: {  	_ =	swait.ge @!p2 [sflag:s0], $0x80  }
0x38: {  	[sflag:s0] =	ssyncset.done @!p2 $0x0  }
0x39: {  	s18 =	sadd.s32 @!p2 s6, s18;
	s21 =	simm.s32 @!p2 $0x100;
	[sflag:s0] =	ssyncadd.s32 @!p2 $0xFFFFFF80  }
0x3a: {  	[tilespmem:s21], [sflag:$0x5] =	stream.linear.gather @!p2 [hbm4b:s18+s22], $0x80, $0x38;
	[tilespmem:$0x1C200] =	vst v63  }
0x3b: {  	_ =	swait.ge @!p2 [sflag:s0], $0x80  }
0x3c: {  	s23 =	simm.s32 @!p1 $0x2;
	[sflag:s0] =	ssyncset.done @!p2 $0x0  }
0x3d: {  	s18 =	simm.s32 @!p2 $0x200;
	s21 =	simm.s32 @!p2 $0x80;
	[sflag:s0] =	ssyncadd.s32 @!p2 $0xFFFFFF80  }
0x3e: {  	[tilespmem:s18], [sflag:$0x1] =	stream.indirect.gather @!p2 [hbm4b:s4+s21], $0x80, s22, s21, $0xb8;
	[tilespmem:$0x1C200] =	vst v63  }
0x3f: {  	_ =	swait.ge @!p1 [sflag:s23], $0x4000  }
0x40: {  	s26 =	rddreg [dreg:$0x4]  }
0x41: {  	s22 =	smov.u32 s15;
	s15 =	rddreg [dreg:$0x5]  }
0x42: {  	[sflag:s23] =	ssyncset.done @!p1 $0x0;
	s21 =	rddreg [dreg:$0x8]  }
0x43: {  	[sflag:s23] =	ssyncadd.s32 @!p1 $0xFFFFC000;
	s23 =	rddreg [dreg:$0x3]  }
0x44: {  	[spmem:s1] =	stream.indirect.scatter.add.f32 @!p1 [tilespmem:s2], [sflag:$0x4], $0x80, s20, s17, $0xb8;
	[tilespmem:$0x1C200] =	vst v63  }
0x45: {  	s20 =	rddreg [dreg:$0xa]  }
.LBB2_11:
0x46: {  	_ =	swait.ge [sflag:s13], $0x4000  }
0x47: {  	[sflag:s13] =	ssyncset.done $0x0  }
0x48: {  	s0 =	simm.s32 $0x4;
	[sflag:s13] =	ssyncadd.s32 $0xFFFFC000  }
0x49: {  	_ =	swait.ge [sflag:s0], $0x4000  }
0x4a: {  	[sflag:s0] =	ssyncset.done $0x0  }
0x4b: {  	s14 =	sshll.u32 s24, $0x6;
	[sflag:s0] =	ssyncadd.s32 $0xFFFFC000  }
0x4c: {  	s2 =	sshrl.u32 s7, $0x3;
	s0 =	sor.u32 $0x1C05, s14;
	[bflag:$0x0] =	sbarrier.arrive $0xFFFF  }
0x4d: {  	[hbm:s22], [sflag:s0] =	dma.local [spmem:s2], $0x800  }
0x4e: {  	_ =	swait.ge [sflag:s29], $0x800  }
0x4f: {  	[sflag:s29] =	ssyncset.done $0x0  }
0x50: {  	s17 =	sshrl.u32 s8, $0x3;
	[sflag:s29] =	ssyncadd.s32 $0xFFFFF800  }
0x51: {  	[hbm:s23], [sflag:s0] =	dma.local [spmem:s17], $0x800  }
0x52: {  	_ =	swait.ge [sflag:s29], $0x800  }
0x53: {  	[sflag:s29] =	ssyncset.done $0x0  }
0x54: {  	s18 =	sshrl.u32 s9, $0x3;
	[sflag:s29] =	ssyncadd.s32 $0xFFFFF800  }
0x55: {  	[hbm:s26], [sflag:s0] =	dma.local [spmem:s18], $0x800  }
0x56: {  	_ =	swait.ge [sflag:s29], $0x800  }
0x57: {  	[sflag:s29] =	ssyncset.done $0x0  }
0x58: {  	s14 =	sshrl.u32 s10, $0x3;
	[sflag:s29] =	ssyncadd.s32 $0xFFFFF800  }
0x59: {  	[hbm:s15], [sflag:s0] =	dma.local [spmem:s14], $0x800  }
0x5a: {  	_ =	swait.ge [sflag:s29], $0x800  }
0x5b: {  	[sflag:s29] =	ssyncset.done $0x0  }
0x5c: {  	s17 =	sshrl.u32 s12, $0x3;
	s14 =	rddreg [dreg:$0x6];
	[sflag:s29] =	ssyncadd.s32 $0xFFFFF800  }
0x5d: {  	[hbm:s14], [sflag:s0] =	dma.local [spmem:s17], $0x800  }
0x5e: {  	_ =	swait.ge [sflag:s29], $0x800  }
0x5f: {  	s16 =	sadd.s32 $0x1, s16;
	s18 =	rddreg [dreg:$0x7]  }
0x60: {  	p1 =	sne.s32 s16, s18  }
.Ltmp1:
0x61: {  	_ = 	snop;
	(pc) =	sbr.rel @!p1 .LBB2_12-.Ltmp1, $3  }
0x62: {  	_ =	sdelay $0x1  }
0x63: {  	[sflag:s29] =	ssyncset.done $0x0  }
0x64: {  	[sflag:s29] =	ssyncadd.s32 $0xFFFFF800  }
.LBB2_1:
0x65: {  	s17 =	simm.s32 $0x0;
	s18 =	simm.s32 $0x200  }
.LBB2_2:
0x66: {  	p1 =	sne.s32 s18, $0xFE00;
	[tilespmem:s17+$0x270] =	vst v0  }
0x67: {  	[tilespmem:s17+$0x200] =	vst v0  }
0x68: {  	[tilespmem:s17+$0x210] =	vst v0  }
.Ltmp2:
0x69: {  	[tilespmem:s17+$0x220] =	vst v0;
	(pc) =	sbr.rel @p1 .LBB2_2-.Ltmp2, $4  }
0x6a: {  	[tilespmem:s17+$0x230] =	vst v0  }
0x6b: {  	[tilespmem:s17+$0x240] =	vst v0  }
0x6c: {  	[tilespmem:s17+$0x250] =	vst v0  }
0x6d: {  	[tilespmem:s17+$0x260] =	vst v0;
	s17 =	sshra.s32 s18, $0x2;
	s18 =	sadd.s32 $0x200, s18  }
0x6e: {  	[tilespmem:s17+$0x270] =	vst v0  }
0x6f: {  	[tilespmem:s17+$0x200] =	vst v0  }
0x70: {  	[tilespmem:s17+$0x210] =	vst v0  }
0x71: {  	[tilespmem:s17+$0x220] =	vst v0  }
0x72: {  	[tilespmem:s17+$0x230] =	vst v0  }
0x73: {  	[tilespmem:s17+$0x240] =	vst v0  }
0x74: {  	[tilespmem:s17+$0x250] =	vst v0  }
0x75: {  	[tilespmem:s17+$0x260] =	vst v0  }
0x76: {  	[spmem:s7] =	stream.linear.scatter [tilespmem:s28], [sflag:$0x5], $0x4000, $0x38;
	[tilespmem:$0x1C200] =	vst v63  }
0x77: {  	_ =	swait.ge [sflag:s29], $0x4000  }
0x78: {  	[sflag:s29] =	ssyncset.done $0x0  }
0x79: {  	[sflag:s29] =	ssyncadd.s32 $0xFFFFC000  }
0x7a: {  	[spmem:s8] =	stream.linear.scatter [tilespmem:s28], [sflag:$0x5], $0x4000, $0x38;
	[tilespmem:$0x1C200] =	vst v63  }
0x7b: {  	_ =	swait.ge [sflag:s29], $0x4000  }
0x7c: {  	[sflag:s29] =	ssyncset.done $0x0  }
0x7d: {  	[sflag:s29] =	ssyncadd.s32 $0xFFFFC000  }
0x7e: {  	[spmem:s9] =	stream.linear.scatter [tilespmem:s28], [sflag:$0x5], $0x4000, $0x38;
	[tilespmem:$0x1C200] =	vst v63  }
0x7f: {  	_ =	swait.ge [sflag:s29], $0x4000  }
0x80: {  	[sflag:s29] =	ssyncset.done $0x0  }
0x81: {  	[sflag:s29] =	ssyncadd.s32 $0xFFFFC000  }
0x82: {  	[spmem:s10] =	stream.linear.scatter [tilespmem:s28], [sflag:$0x5], $0x4000, $0x38;
	[tilespmem:$0x1C200] =	vst v63  }
0x83: {  	_ =	swait.ge [sflag:s29], $0x4000  }
0x84: {  	[sflag:s29] =	ssyncset.done $0x0  }
0x85: {  	[sflag:s29] =	ssyncadd.s32 $0xFFFFC000  }
0x86: {  	[spmem:s12] =	stream.linear.scatter [tilespmem:s28], [sflag:$0x5], $0x4000, $0x38;
	[tilespmem:$0x1C200] =	vst v63  }
0x87: {  	_ =	swait.ge [sflag:s29], $0x4000  }
0x88: {  	[sflag:s29] =	ssyncset.done $0x0  }
0x89: {  	[sflag:s29] =	ssyncadd.s32 $0xFFFFC000  }
0x8a: {  	[bflag:$0x0] =	sbarrier.arrive $0xFFFF  }
0x8b: {  	[tilespmem:s3], [sflag:$0x5] =	stream.linear.gather [hbm4b:s25+s3], $0x80, $0x38;
	[tilespmem:$0x1C200] =	vst v63  }
0x8c: {  	_ =	swait.ge [sflag:s29], $0x80  }
0x8d: {  	[sflag:s29] =	ssyncset.done $0x0  }
0x8e: {  	[sflag:s29] =	ssyncadd.s32 $0xFFFFFF80  }
0x8f: {  	[tilespmem:s19], [sflag:$0x5] =	stream.linear.gather [hbm4b:s30+s3], $0x80, $0x38;
	[tilespmem:$0x1C200] =	vst v63  }
0x90: {  	_ =	swait.ge [sflag:s29], $0x80  }
0x91: {  	[sflag:s29] =	ssyncset.done $0x0  }
0x92: {  	[sflag:s29] =	ssyncadd.s32 $0xFFFFFF80  }
0x93: {  	[tilespmem:s28], [sflag:$0x1] =	stream.indirect.gather [hbm4b:s4+s31], $0x80, s3, s31, $0xb8;
	[tilespmem:$0x1C200] =	vst v63  }
0x94: {  	_ = 	snop  }
0x95: {  	[tilespmem:s31], [sflag:$0x5] =	stream.linear.gather [hbm4b:s21+s3], $0x80, $0x38;
	[tilespmem:$0x1C200] =	vst v63  }
0x96: {  	_ =	swait.ge [sflag:s29], $0x80  }
0x97: {  	[sflag:s29] =	ssyncset.done $0x0  }
0x98: {  	s2 =	simm.s32 $0x180;
	s0 =	rddreg [dreg:$0x9];
	[sflag:s29] =	ssyncadd.s32 $0xFFFFFF80  }
0x99: {  	[tilespmem:s2], [sflag:$0x5] =	stream.linear.gather [hbm4b:s0+s3], $0x80, $0x38;
	[tilespmem:$0x1C200] =	vst v63  }
0x9a: {  	_ =	swait.ge [sflag:s29], $0x80  }
0x9b: {  	[sflag:s29] =	ssyncset.done $0x0  }
0x9c: {  	s14 =	simm.s32 $0x4200;
	s18 =	simm.s32 $0x1;
	[sflag:s29] =	ssyncadd.s32 $0xFFFFFF80  }
0x9d: {  	[tilespmem:s14], [sflag:$0x2] =	stream.indirect.gather [hbm4b:s4+s31], $0x80, s31, s31, $0xb8;
	[tilespmem:$0x1C200] =	vst v63  }
0x9e: {  	_ =	swait.ge [sflag:s18], $0x4000  }
0x9f: {  	[sflag:s18] =	ssyncset.done $0x0  }
0xa0: {  	[sflag:s18] =	ssyncadd.s32 $0xFFFFC000  }
0xa1: {  	[spmem:s1] =	stream.indirect.scatter.add.f32 [tilespmem:s28], [sflag:$0x3], $0x80, s19, s31, $0xb8;
	[tilespmem:$0x1C200] =	vst v63  }
0xa2: {  	_ =	swait.ge [sflag:s13], $0x4000  }
0xa3: {  	[sflag:s13] =	ssyncset.done $0x0  }
0xa4: {  	[sflag:s13] =	ssyncadd.s32 $0xFFFFC000  }
0xa5: {  	[tilespmem:s3], [sflag:$0x5] =	stream.linear.gather [hbm4b:s20+s3], $0x80, $0x38;
	[tilespmem:$0x1C200] =	vst v63  }
0xa6: {  	_ =	swait.ge [sflag:s29], $0x80  }
0xa7: {  	[sflag:s29] =	ssyncset.done $0x0  }
0xa8: {  	s17 =	rddreg [dreg:$0xb];
	[sflag:s29] =	ssyncadd.s32 $0xFFFFFF80  }
0xa9: {  	[tilespmem:s19], [sflag:$0x5] =	stream.linear.gather [hbm4b:s17+s3], $0x80, $0x38;
	[tilespmem:$0x1C200] =	vst v63  }
0xaa: {  	_ =	swait.ge [sflag:s29], $0x80  }
0xab: {  	[sflag:s29] =	ssyncset.done $0x0  }
0xac: {  	[sflag:s29] =	ssyncadd.s32 $0xFFFFFF80  }
0xad: {  	[tilespmem:s28], [sflag:$0x1] =	stream.indirect.gather [hbm4b:s4+s31], $0x80, s3, s31, $0xb8;
	[tilespmem:$0x1C200] =	vst v63  }
.Ltmp3:
0xae: {  	s18 =	simm.s32 $0x2;
	(pc) =	sbr.rel @p0 .LBB2_11-.Ltmp3, $4  }
0xaf: {  	_ =	swait.ge [sflag:s18], $0x4000  }
0xb0: {  	[sflag:s18] =	ssyncset.done $0x0  }
0xb1: {  	[sflag:s18] =	ssyncadd.s32 $0xFFFFC000;
	s18 =	simm.s32 $0x4  }
0xb2: {  	[spmem:s1] =	stream.indirect.scatter.add.f32 [tilespmem:s14], [sflag:$0x4], $0x80, s2, s31, $0xb8;
	[tilespmem:$0x1C200] =	vst v63  }
0xb3: {  	s0 =	rddreg [dreg:$0xc]  }
0xb4: {  	s15 =	smov.u32 s22;
	s22 =	sadd.s32 $0xFFFFFFFF, s0  }
0xb5: {  	p1 =	sne.s32 s22, $0x0  }
.Ltmp4:
0xb6: {  	_ = 	snop;
	(pc) =	sbr.rel @!p1 .LBB2_5-.Ltmp4, $2  }
0xb7: {  	_ =	sdelay $0x2  }
0xb8: {  	p4 =	sle.u32 s11, $0x3;
	p2 =	por $0x0, $0x0  }
0xb9: {  	s18 =	simm.s32 @!p4 $0x4  }
0xba: {  	_ =	swait.ge @!p4 [sflag:s18], $0x4000  }
0xbb: {  	s17 =	simm.s32 @!p4 $0x80;
	s2 =	rddreg [dreg:$0xd]  }
0xbc: {  	s23 =	simm.s32 @!p4 $0x0;
	[sflag:s18] =	ssyncset.done @!p4 $0x0;
	s20 =	sshrl.u32 @!p4 s2, $0x3  }
0xbd: {  	[sflag:s18] =	ssyncadd.s32 @!p4 $0xFFFFC000;
	s18 =	simm.s32 @!p4 $0x5;
	s21 =	sadd.s32 @!p4 s5, s20  }
0xbe: {  	[tilespmem:s17], [sflag:$0x5] =	stream.linear.gather @!p4 [hbm4b:s21+s23], $0x80, $0x38;
	[tilespmem:$0x1C200] =	vst v63  }
0xbf: {  	p1 =	por p4, p4;
	_ =	swait.ge @!p4 [sflag:s18], $0x80  }
0xc0: {  	[sflag:s18] =	ssyncset.done @!p1 $0x0  }
0xc1: {  	s21 =	sadd.s32 @!p4 s6, s20;
	s20 =	simm.s32 @!p1 $0x180;
	[sflag:s18] =	ssyncadd.s32 @!p1 $0xFFFFFF80  }
0xc2: {  	[tilespmem:s20], [sflag:$0x5] =	stream.linear.gather @!p1 [hbm4b:s21+s23], $0x80, $0x38;
	[tilespmem:$0x1C200] =	vst v63  }
0xc3: {  	_ =	swait.ge @!p1 [sflag:s18], $0x80  }
0xc4: {  	p3 =	sle.u32 s11, $0x2;
	[sflag:s18] =	ssyncset.done @!p1 $0x0  }
0xc5: {  	s21 =	simm.s32 @!p1 $0x4200;
	[sflag:s18] =	ssyncadd.s32 @!p1 $0xFFFFFF80;
	s18 =	simm.s32 @!p3 $0x1  }
0xc6: {  	[tilespmem:s21], [sflag:$0x2] =	stream.indirect.gather @!p1 [hbm4b:s4+s17], $0x80, s17, s17, $0xb8;
	[tilespmem:$0x1C200] =	vst v63  }
0xc7: {  	p2 =	sle.u32 s11, $0x4;
	s26 =	simm.s32 @!p3 $0x80;
	_ =	swait.ge @!p3 [sflag:s18], $0x4000  }
0xc8: {  	s24 =	simm.s32 @!p3 $0x100;
	s0 =	sadd.s32 @!p2 $0x80, s2;
	[sflag:s18] =	ssyncset.done @!p3 $0x0  }
0xc9: {  	s23 =	simm.s32 @!p3 $0x200;
	[sflag:s18] =	ssyncadd.s32 @!p3 $0xFFFFC000;
	s18 =	simm.s32 @!p2 $0x3  }
0xca: {  	[spmem:s1] =	stream.indirect.scatter.add.f32 @!p3 [tilespmem:s23], [sflag:$0x3], $0x80, s24, s26, $0xb8;
	[tilespmem:$0x1C200] =	vst v63  }
0xcb: {  	s0 =	sshrl.u32 @!p2 s0, $0x3;
	_ =	swait.ge @!p2 [sflag:s18], $0x4000  }
0xcc: {  	s23 =	sadd.s32 @!p2 s5, s0;
	[sflag:s18] =	ssyncset.done @!p2 $0x0  }
0xcd: {  	s24 =	simm.s32 @!p2 $0x0;
	[sflag:s18] =	ssyncadd.s32 @!p2 $0xFFFFC000;
	s18 =	simm.s32 @!p2 $0x5  }
0xce: {  	[tilespmem:s24], [sflag:$0x5] =	stream.linear.gather @!p2 [hbm4b:s23+s24], $0x80, $0x38;
	[tilespmem:$0x1C200] =	vst v63  }
0xcf: {  	_ =	swait.ge @!p2 [sflag:s18], $0x80  }
0xd0: {  	s22 =	sadd.s32 $0xFFFFFFFF, s22;
	[sflag:s18] =	ssyncset.done @!p2 $0x0  }
0xd1: {  	s0 =	sadd.s32 @!p2 s6, s0;
	s23 =	simm.s32 @!p2 $0x100;
	[sflag:s18] =	ssyncadd.s32 @!p2 $0xFFFFFF80  }
0xd2: {  	[tilespmem:s23], [sflag:$0x5] =	stream.linear.gather @!p2 [hbm4b:s0+s24], $0x80, $0x38;
	[tilespmem:$0x1C200] =	vst v63  }
0xd3: {  	s14 =	smov.u32 s30;
	p3 =	sne.s32 s22, $0x0;
	_ =	swait.ge @!p2 [sflag:s18], $0x80  }
.Ltmp5:
0xd4: {  	s19 =	smov.u32 s25;
	[sflag:s18] =	ssyncset.done @!p2 $0x0;
	(pc) =	sbr.rel @!p3 .LBB2_7-.Ltmp5, $4  }
0xd5: {  	s0 =	simm.s32 @!p2 $0x200;
	s23 =	simm.s32 @!p2 $0x80;
	[sflag:s18] =	ssyncadd.s32 @!p2 $0xFFFFFF80  }
0xd6: {  	[tilespmem:s0], [sflag:$0x1] =	stream.indirect.gather @!p2 [hbm4b:s4+s23], $0x80, s24, s23, $0xb8;
	[tilespmem:$0x1C200] =	vst v63  }
0xd7: {  	p4 =	sle.u32 s11, $0x5;
	s26 =	sadd.s32 $0x100, s2;
	s23 =	simm.s32 @!p1 $0x2  }
0xd8: {  	s18 =	simm.s32 $0x6;
	p2 =	por $0x1, $0x1;
	_ =	swait.ge @!p1 [sflag:s23], $0x4000  }
.LBB2_8:
0xd9: {  	s22 =	sadd.s32 $0xFFFFFFFF, s22;
	s0 =	simm.s32 @!p4 $0x4;
	[sflag:s23] =	ssyncset.done @!p1 $0x0  }
0xda: {  	p3 =	sne.s32 s22, $0x0;
	[sflag:s23] =	ssyncadd.s32 @!p1 $0xFFFFC000  }
0xdb: {  	[spmem:s1] =	stream.indirect.scatter.add.f32 @!p1 [tilespmem:s21], [sflag:$0x4], $0x80, s20, s17, $0xb8;
	[tilespmem:$0x1C200] =	vst v63  }
0xdc: {  	s20 =	sshrl.u32 @!p4 s26, $0x3;
	s17 =	simm.s32 @!p4 $0x80;
	_ =	swait.ge @!p4 [sflag:s0], $0x4000  }
0xdd: {  	s23 =	simm.s32 @!p4 $0x0;
	s21 =	sadd.s32 @!p4 s5, s20;
	[sflag:s0] =	ssyncset.done @!p4 $0x0  }
0xde: {  	s24 =	sadd.s32 @!p4 s6, s20;
	[sflag:s0] =	ssyncadd.s32 @!p4 $0xFFFFC000;
	s0 =	simm.s32 @!p4 $0x5  }
0xdf: {  	[tilespmem:s17], [sflag:$0x5] =	stream.linear.gather @!p4 [hbm4b:s21+s23], $0x80, $0x38;
	[tilespmem:$0x1C200] =	vst v63  }
0xe0: {  	p1 =	por p4, p4;
	_ =	swait.ge @!p4 [sflag:s0], $0x80  }
0xe1: {  	s20 =	simm.s32 @!p1 $0x180;
	[sflag:s0] =	ssyncset.done @!p1 $0x0  }
0xe2: {  	[sflag:s0] =	ssyncadd.s32 @!p1 $0xFFFFFF80  }
0xe3: {  	[tilespmem:s20], [sflag:$0x5] =	stream.linear.gather @!p1 [hbm4b:s24+s23], $0x80, $0x38;
	[tilespmem:$0x1C200] =	vst v63  }
0xe4: {  	s23 =	sadd.s32 $0xFFFFFFFE, s18;
	_ =	swait.ge @!p1 [sflag:s0], $0x80  }
0xe5: {  	s21 =	simm.s32 @!p1 $0x4200;
	p5 =	sge.u32 s23, s11;
	[sflag:s0] =	ssyncset.done @!p1 $0x0  }
0xe6: {  	[sflag:s0] =	ssyncadd.s32 @!p1 $0xFFFFFF80;
	s0 =	simm.s32 @!p5 $0x1  }
0xe7: {  	[tilespmem:s21], [sflag:$0x2] =	stream.indirect.gather @!p1 [hbm4b:s4+s17], $0x80, s17, s17, $0xb8;
	[tilespmem:$0x1C200] =	vst v63  }
0xe8: {  	p4 =	sge.u32 s18, s11;
	s23 =	simm.s32 @!p5 $0x200;
	_ =	swait.ge @!p5 [sflag:s0], $0x4000  }
0xe9: {  	s24 =	simm.s32 @!p5 $0x80;
	s2 =	simm.s32 @!p5 $0x100;
	[sflag:s0] =	ssyncset.done @!p5 $0x0  }
0xea: {  	s30 =	sadd.s32 @!p4 $0x80, s26;
	[sflag:s0] =	ssyncadd.s32 @!p5 $0xFFFFC000;
	s0 =	simm.s32 @!p4 $0x3  }
0xeb: {  	[spmem:s1] =	stream.indirect.scatter.add.f32 @!p5 [tilespmem:s23], [sflag:$0x3], $0x80, s2, s24, $0xb8;
	[tilespmem:$0x1C200] =	vst v63  }
0xec: {  	s2 =	sshrl.u32 @!p4 s30, $0x3;
	_ =	swait.ge @!p4 [sflag:s0], $0x4000  }
0xed: {  	s24 =	simm.s32 @!p4 $0x0;
	s23 =	sadd.s32 @!p4 s5, s2;
	[sflag:s0] =	ssyncset.done @!p4 $0x0  }
0xee: {  	s2 =	sadd.s32 @!p4 s6, s2;
	[sflag:s0] =	ssyncadd.s32 @!p4 $0xFFFFC000;
	s0 =	simm.s32 @!p4 $0x5  }
0xef: {  	[tilespmem:s24], [sflag:$0x5] =	stream.linear.gather @!p4 [hbm4b:s23+s24], $0x80, $0x38;
	[tilespmem:$0x1C200] =	vst v63  }
0xf0: {  	_ =	swait.ge @!p4 [sflag:s0], $0x80  }
0xf1: {  	s23 =	simm.s32 @!p4 $0x100;
	[sflag:s0] =	ssyncset.done @!p4 $0x0  }
0xf2: {  	s18 =	sadd.s32 $0x2, s18;
	[sflag:s0] =	ssyncadd.s32 @!p4 $0xFFFFFF80  }
0xf3: {  	[tilespmem:s23], [sflag:$0x5] =	stream.linear.gather @!p4 [hbm4b:s2+s24], $0x80, $0x38;
	[tilespmem:$0x1C200] =	vst v63  }
.Ltmp6:
0xf4: {  	s2 =	simm.s32 @!p4 $0x200;
	_ =	swait.ge @!p4 [sflag:s0], $0x80;
	(pc) =	sbr.rel @p3 .LBB2_8-.Ltmp6, $4  }
0xf5: {  	s30 =	simm.s32 @!p4 $0x80;
	s23 =	simm.s32 @!p1 $0x2;
	[sflag:s0] =	ssyncset.done @!p4 $0x0  }
0xf6: {  	s25 =	sadd.s32 $0xFFFFFFFF, s18;
	[sflag:s0] =	ssyncadd.s32 @!p4 $0xFFFFFF80  }
0xf7: {  	[tilespmem:s2], [sflag:$0x1] =	stream.indirect.gather @!p4 [hbm4b:s4+s30], $0x80, s24, s30, $0xb8;
	[tilespmem:$0x1C200] =	vst v63  }
0xf8: {  	s26 =	sadd.s32 $0x100, s26;
	p4 =	sge.u32 s25, s11;
	_ =	swait.ge @!p1 [sflag:s23], $0x4000  }
.Ltmp7:
0xf9: {  	(pc) =	sbr.rel .LBB2_10-.Ltmp7, $3  }
0xfa: {  	_ =	sdelay $0x1  }
0xfb: {  	s24 =	stileid.u32  }
0xfc: {  	s25 =	smov.u32 s19;
	s30 =	smov.u32 s14;
	s19 =	simm.s32 $0x100  }
.LBB2_7:
.Ltmp8:
0xfd: {  	(pc) =	sbr.rel .LBB2_10-.Ltmp8, $3  }
0xfe: {  	_ =	sdelay $0x1  }
0xff: {  	s24 =	stileid.u32  }
0x100: {  	s25 =	smov.u32 s19;
	s30 =	smov.u32 s14;
	s19 =	simm.s32 $0x100  }
.LBB2_12:
0x101: {  	_ =	sfence.sel $0x180000  }
0x102: {  	[bflag:$0x0] =	sbarrier.arrive $0xFFFF  }
0x103: {  	_ =	strace $0x9000004A  }
0x104: {  	[bflag:$0x2] =	sbarrier.arrive $0xFFFF  }
0x105: {  	p0 =	sne.s32 s24, $0x0;
	s0 =	rddreg [dreg:$0x2]  }
0x106: {  	s0 =	sadd.s32 @!p0 $0x100000, s0  }
0x107: {  	[sflag:s0] =	ssyncadd.tile.s32 @!p0 $0x1;
	_ =	shalt  }
.Lfunc_end2:
_tile_overlayer_lowered:
.L_overlay_start_2:
0x108: {  	(tag) =	ssettag $0x2  }
0x109: {  	s0 =	rddreg [dreg:$0x0];
	s2 =	stileid.u32  }
0x10a: {  	s1 =	rddreg [dreg:$0x1];
	p0 =	sne.s32 s2, $0x0  }
0x10b: {  	s3 =	rddreg [dreg:$0x2];
	[bflag:$0x3] =	sbarrier.arrive $0xFFFF;
	s2 =	simm.s32 @!p0 $0x1C05  }
0x10c: {  	[timem:s3], [sflag:s2] =	dma.local @!p0 [hbm:s0], s1  }
0x10d: {  	s0 =	simm.s32 @!p0 $0x5  }
0x10e: {  	_ =	swait.ge @!p0 [sflag:s0], s1  }
0x10f: {  	s1 =	ssub.s32 @!p0 $0x0, s1;
	[sflag:s0] =	ssyncset.done @!p0 $0x0  }
0x110: {  	[sflag:s0] =	ssyncadd.s32 @!p0 s1  }
0x111: {  	[bflag:$0x3] =	sbarrier.arrive $0xFFFF  }
0x112: {  	_ =	shalt  }

</sc_bundles>
